<compile_context>
chip_gen: v7x
topology: tpu7x:2x2x1
jax: 0.10.2.dev20260603
libtpu: 0.0.44.dev20260713+nightly
codegen_flags: <defaults>
</compile_context>

<pallas_src>
import functools
import math

import jax
import jax.numpy as jnp
from jax import lax
from jax.experimental import pallas as pl
from jax.experimental.pallas import tpu as pltpu
from jax.experimental.pallas import tpu_sc as plsc

S = 2048
D = 768
E = 16
BT = 256
NUM_SLOTS = S + E * BT
NB = NUM_SLOTS // BT
CH = 128


def _router_body(x_ref, wg_ref, bg_ref, probs_ref, slot_ref, meta_ref):
    x = x_ref[...]
    logits = lax.dot_general(x, wg_ref[...],
                             (((1,), (1,)), ((), ())),
                             preferred_element_type=jnp.float32)
    logits = logits + bg_ref[...]
    m = jnp.max(logits, axis=1, keepdims=True)
    ex = jnp.exp(logits - m)
    probs = ex / jnp.sum(ex, axis=1, keepdims=True)
    probs_ref[...] = probs

    lane = lax.broadcasted_iota(jnp.int32, (S, E), 1).astype(jnp.float32)
    pm = jnp.max(probs, axis=1, keepdims=True)
    eidx = jnp.min(jnp.where(probs == pm, lane, float(E)), axis=1,
                   keepdims=True)
    onehot = (lane == eidx).astype(jnp.float32)

    r = lax.broadcasted_iota(jnp.int32, (CH, CH), 0)
    c = lax.broadcasted_iota(jnp.int32, (CH, CH), 1)
    tril = (c <= r).astype(jnp.float32)
    run = jnp.zeros((1, E), jnp.float32)
    chunks = []
    for i in range(S // CH):
        oh = onehot[i * CH:(i + 1) * CH]
        chunks.append(jnp.dot(tril, oh, preferred_element_type=jnp.float32)
                      + run)
        run = run + jnp.sum(oh, axis=0, keepdims=True)
    prefix = jnp.concatenate(chunks, axis=0)
    rank = jnp.sum(onehot * (prefix - 1.0), axis=1, keepdims=True)

    counts = run.astype(jnp.int32)
    _SH = BT.bit_length() - 1
    padded = ((counts + (BT - 1)) >> _SH) << _SH
    r16 = lax.broadcasted_iota(jnp.int32, (E, E), 0)
    c16 = lax.broadcasted_iota(jnp.int32, (E, E), 1)
    supper = (r16 < c16).astype(jnp.float32)
    pstarts = jnp.dot(padded.astype(jnp.float32), supper,
                      preferred_element_type=jnp.float32)

    slot = jnp.sum(onehot * pstarts, axis=1, keepdims=True) + rank
    slot_ref[...] = slot.astype(jnp.int32).reshape(S)

    bstart = lax.broadcasted_iota(jnp.int32, (NB, 1), 0).astype(jnp.float32) * float(BT)
    owner = jnp.sum((pstarts <= bstart).astype(jnp.float32), axis=1,
                    keepdims=True) - 1.0

    prev = jnp.concatenate([jnp.full((1, 1), -1.0), owner[:-1]], axis=0)
    loadf = (owner != prev).astype(jnp.float32)
    rb = lax.broadcasted_iota(jnp.int32, (NB, NB), 0)
    cb = lax.broadcasted_iota(jnp.int32, (NB, NB), 1)
    trilb = (cb <= rb).astype(jnp.float32)
    seg = jnp.dot(trilb, loadf, preferred_element_type=jnp.float32) - 1.0
    third = jnp.floor(seg * (1.0 / 3.0) + 1e-6)
    parity = seg - 3.0 * third
    jmat = cb.astype(jnp.float32)
    ident = (rb == cb).astype(jnp.float32)
    loadrow = lax.dot_general(loadf, ident, (((0,), (0,)), ((), ())),
                              preferred_element_type=jnp.float32)
    cand = jnp.where((cb > rb) & (loadrow > 0.5), jmat, float(NB))
    nxt = jnp.min(cand, axis=1, keepdims=True)
    has_nxt = (nxt < float(NB)).astype(jnp.float32)
    sel = (jmat == nxt).astype(jnp.float32)
    nxt_e = jnp.dot(sel, owner, preferred_element_type=jnp.float32)
    nxt2 = jnp.dot(sel, nxt, preferred_element_type=jnp.float32)
    has2 = jnp.dot(sel, has_nxt, preferred_element_type=jnp.float32)
    sel2 = (jmat == nxt2).astype(jnp.float32)
    nxt2_e = jnp.dot(sel2, owner, preferred_element_type=jnp.float32)
    total = jnp.sum(padded.astype(jnp.float32), axis=1, keepdims=True)
    active = (bstart < total).astype(jnp.float32)
    meta = jnp.concatenate([owner, loadf, parity, nxt_e, has_nxt,
                            nxt2_e, has2, active], axis=1)
    meta_ref[...] = meta.astype(jnp.int32)


def _router(x2, Wg, bg2):
    return pl.pallas_call(
        _router_body,
        out_shape=[
            jax.ShapeDtypeStruct((S, E), jnp.float32),
            jax.ShapeDtypeStruct((S,), jnp.int32),
            jax.ShapeDtypeStruct((NB, 8), jnp.int32),
        ],
    )(x2, Wg, bg2)


def _ffn_body(meta_ref, xs_hbm, w1_hbm, b1_hbm, w2_hbm, b2_hbm, ys_hbm,
              w1_scr, w2_scr, sem_a, sem_b, sem_c,
              x_scr, y_scr, b1_scr, b2_scr,
              sx0, sx1, sx2, sy0, sy1, sy2, sbias):
    b = pl.program_id(0)
    cur_e = meta_ref[b, 0]
    ld = meta_ref[b, 1]
    p = meta_ref[b, 2]
    nxt_e = meta_ref[b, 3]
    has_nxt = meta_ref[b, 4]
    nxt2_e = meta_ref[b, 5]
    has2 = meta_ref[b, 6]
    sems = (sem_a, sem_b, sem_c)

    HD = D // 2

    def _halves(e, slot_i):
        for w_hbm, w_scr in ((w1_hbm, w1_scr), (w2_hbm, w2_scr)):
            for h0 in (0, HD):
                yield pltpu.make_async_copy(
                    w_hbm.at[e, pl.ds(h0, HD)],
                    w_scr.at[slot_i, pl.ds(h0, HD)],
                    sems[slot_i])

    def _start(e, slot_i):
        for cp in _halves(e, slot_i):
            cp.start()

    def _wait(e, slot_i):
        for cp in _halves(e, slot_i):
            cp.wait()

    sxs = (sx0, sx1, sx2)
    sys_ = (sy0, sy1, sy2)

    def _xfetch(j, buf_i):
        return pltpu.make_async_copy(xs_hbm.at[pl.ds(j * BT, BT)],
                                     x_scr.at[buf_i], sxs[buf_i])

    def _ywrite(j, buf_i):
        return pltpu.make_async_copy(y_scr.at[buf_i],
                                     ys_hbm.at[pl.ds(j * BT, BT)],
                                     sys_[buf_i])

    @pl.when(b == 0)
    def _():
        _xfetch(0, 0).start()
        _xfetch(1, 1).start()
        pltpu.make_async_copy(b1_hbm, b1_scr, sbias).start()
        pltpu.make_async_copy(b2_hbm, b2_scr, sbias).start()
        pltpu.make_async_copy(b1_hbm, b1_scr, sbias).wait()
        pltpu.make_async_copy(b2_hbm, b2_scr, sbias).wait()

    @pl.when((b < NB - 2))
    def _():
        for i in range(3):
            @pl.when((lax.rem(b + 2, 3) == i) & (meta_ref[b + 2, 7] == 1))
            def _(i=i):
                _xfetch(b + 2, i).start()

    @pl.when(b == 0)
    def _():
        _start(cur_e, 0)

    @pl.when((b == 0) & (has_nxt == 1))
    def _():
        _start(nxt_e, 1)

    for pp in range(3):
        @pl.when((ld == 1) & (has2 == 1) & (p == pp))
        def _(pp=pp):
            _start(nxt2_e, (pp + 2) % 3)

    for pp in range(3):
        @pl.when((ld == 1) & (p == pp))
        def _(pp=pp):
            _wait(cur_e, pp)

    p3 = lax.rem(b, 3)
    act = meta_ref[b, 7]
    for i in range(3):
        @pl.when((p3 == i) & (act == 1))
        def _(i=i):
            _xfetch(b, i).wait()

    @pl.when(meta_ref[b, 7] == 1)
    def _():
        for i in range(3):
            @pl.when(p3 == i)
            def _(i=i):
                x = x_scr[i]
                h = jnp.dot(x, w1_scr[p],
                            preferred_element_type=jnp.float32)
                h = h + b1_scr[cur_e]
                h = 0.5 * h * (1.0 + lax.erf(h * (1.0 / math.sqrt(2.0))))
                y = jnp.dot(h, w2_scr[p],
                            preferred_element_type=jnp.float32)
                y_scr[i] = y + b2_scr[cur_e]

    for i in range(3):
        @pl.when((p3 == i) & (act == 1))
        def _(i=i):
            _ywrite(b, i).start()

    @pl.when(b >= 2)
    def _():
        for i in range(3):
            @pl.when((lax.rem(b - 2, 3) == i) & (meta_ref[b - 2, 7] == 1))
            def _(i=i):
                _ywrite(b - 2, i).wait()

    @pl.when(b == NB - 1)
    def _():
        for j in (NB - 2, NB - 1):
            @pl.when(meta_ref[j, 7] == 1)
            def _(j=j):
                _ywrite(j, j % 3).wait()


def _ffn(meta, xs, W1, b1, W2, b2):
    grid_spec = pltpu.PrefetchScalarGridSpec(
        num_scalar_prefetch=1,
        grid=(NB,),
        in_specs=[
            pl.BlockSpec(memory_space=pl.ANY),
            pl.BlockSpec(memory_space=pl.ANY),
            pl.BlockSpec(memory_space=pl.ANY),
            pl.BlockSpec(memory_space=pl.ANY),
            pl.BlockSpec(memory_space=pl.ANY),
        ],
        out_specs=pl.BlockSpec(memory_space=pl.ANY),
        scratch_shapes=[
            pltpu.VMEM((3, D, D), jnp.float32),
            pltpu.VMEM((3, D, D), jnp.float32),
            pltpu.SemaphoreType.DMA,
            pltpu.SemaphoreType.DMA,
            pltpu.SemaphoreType.DMA,
            pltpu.VMEM((3, BT, D), jnp.float32),
            pltpu.VMEM((3, BT, D), jnp.float32),
            pltpu.VMEM((E, D), jnp.float32),
            pltpu.VMEM((E, D), jnp.float32),
            pltpu.SemaphoreType.DMA,
            pltpu.SemaphoreType.DMA,
            pltpu.SemaphoreType.DMA,
            pltpu.SemaphoreType.DMA,
            pltpu.SemaphoreType.DMA,
            pltpu.SemaphoreType.DMA,
            pltpu.SemaphoreType.DMA,
        ],
    )
    return pl.pallas_call(
        _ffn_body,
        grid_spec=grid_spec,
        out_shape=jax.ShapeDtypeStruct((NUM_SLOTS, D), jnp.float32),
    )(meta, xs, W1, b1, W2, b2)


_SC_CORES = 2
_SC_SUBCORES = 16


@functools.cache
def _make_sc_kernels():
    nw = _SC_CORES * _SC_SUBCORES
    bw = S // nw
    mesh = plsc.VectorSubcoreMesh(core_axis_name="c", subcore_axis_name="s")
    scratch = [
        pltpu.VMEM((bw,), jnp.int32),
        pltpu.VMEM((bw, D), jnp.float32),
        pltpu.SemaphoreType.DMA,
    ]

    @functools.partial(
        pl.kernel, mesh=mesh,
        out_type=jax.ShapeDtypeStruct((NUM_SLOTS, D), jnp.float32),
        scratch_types=scratch,
    )
    def dispatch(x_hbm, slot_hbm, xs_hbm, idx_v, rows_v, sem):
        wid = lax.axis_index("s") * _SC_CORES + lax.axis_index("c")
        base = wid * bw
        pltpu.sync_copy(slot_hbm.at[pl.ds(base, bw)], idx_v)
        pltpu.sync_copy(x_hbm.at[pl.ds(base, bw)], rows_v)
        pltpu.async_copy(rows_v, xs_hbm.at[idx_v], sem).wait()

    @functools.partial(
        pl.kernel, mesh=mesh,
        out_type=jax.ShapeDtypeStruct((S, D), jnp.float32),
        scratch_types=scratch,
    )
    def combine(ys_hbm, slot_hbm, out_hbm, idx_v, rows_v, sem):
        wid = lax.axis_index("s") * _SC_CORES + lax.axis_index("c")
        base = wid * bw
        pltpu.sync_copy(slot_hbm.at[pl.ds(base, bw)], idx_v)
        pltpu.async_copy(ys_hbm.at[idx_v], rows_v, sem).wait()
        pltpu.sync_copy(rows_v, out_hbm.at[pl.ds(base, bw)])

    return dispatch, combine


def kernel(x, Wg, bg, W1, b1, W2, b2):
    _dispatch, _combine = _make_sc_kernels()
    x2 = x.reshape(S, D)
    probs, slot, meta = _router(x2, Wg, bg.reshape(1, E))
    xs = _dispatch(x2, slot)
    ys = _ffn(meta, xs, W1, b1, W2, b2)
    out = _combine(ys, slot)
    return out.reshape(x.shape), probs.reshape(x.shape[0], S, E)

# --- scband reference (transcript-rebuilt; emitter-appended) ---
"""Pipeline reference for scband-mixture-of-experts-11123965297264 (READ-ONLY COPY).

The authoritative reference and input builder live on the scoring server;
editing this copy changes nothing except your own understanding.
"""

import jax, jax.numpy as jnp
import numpy as np

INPUT_DIM = 768
HIDDEN_DIM = 768
OUTPUT_DIM = 768
NUM_EXPERTS = 16
TOP_K = 1
BATCH = 1
SEQ = 2048


def setup_inputs(seed: int = 0) -> dict:
    key = jax.random.key(seed)
    ks = jax.random.split(key, 8)
    x = jax.random.normal(ks[0], (BATCH, SEQ, INPUT_DIM), dtype=jnp.float32)
    s_in = 1.0 / np.sqrt(INPUT_DIM)
    s_h = 1.0 / np.sqrt(HIDDEN_DIM)
    # router gate: Linear(input_dim -> num_experts); store as [num_experts, input_dim] like torch
    Wg = jax.random.uniform(ks[1], (NUM_EXPERTS, INPUT_DIM), jnp.float32, -s_in, s_in)
    bg = jax.random.uniform(ks[2], (NUM_EXPERTS,), jnp.float32, -s_in, s_in)
    # expert weights stacked: W1 [E, d_in, d_hidden] (already transposed for x @ W1)
    W1 = jax.random.uniform(ks[3], (NUM_EXPERTS, INPUT_DIM, HIDDEN_DIM), jnp.float32, -s_in, s_in)
    b1 = jax.random.uniform(ks[4], (NUM_EXPERTS, HIDDEN_DIM), jnp.float32, -s_in, s_in)
    W2 = jax.random.uniform(ks[5], (NUM_EXPERTS, HIDDEN_DIM, OUTPUT_DIM), jnp.float32, -s_h, s_h)
    b2 = jax.random.uniform(ks[6], (NUM_EXPERTS, OUTPUT_DIM), jnp.float32, -s_h, s_h)
    return {"x": x, "Wg": Wg, "bg": bg, "W1": W1, "b1": b1, "W2": W2, "b2": b2}


def reference(x, Wg, bg, W1, b1, W2, b2):
    B, S, D = x.shape
    # Router
    logits = jnp.einsum('bsd,ed->bse', x, Wg) + bg
    probs = jax.nn.softmax(logits, axis=-1)
    top_w, top_i = jax.lax.top_k(probs, TOP_K)
    top_w = top_w / jnp.sum(top_w, axis=-1, keepdims=True)
    flat_x = x.reshape(-1, D)
    flat_w = top_w.reshape(-1, TOP_K)
    flat_i = top_i.reshape(-1, TOP_K)
    results = jnp.zeros_like(flat_x)
    # Dropout is identity in eval mode. Mask-dense dispatch is mathematically
    # identical to the torch boolean-mask gather/scatter dispatch.
    for k in range(TOP_K):
        e_idx = flat_i[:, k]
        e_w = flat_w[:, k][:, None]
        for i in range(NUM_EXPERTS):
            mask = (e_idx == i).astype(flat_x.dtype)[:, None]
            h = jax.nn.gelu(flat_x @ W1[i] + b1[i], approximate=False)
            out_i = h @ W2[i] + b2[i]
            results = results + out_i * e_w * mask
    output = results.reshape(B, S, D)
    return output, probs

if __name__ == "__main__":
    import jax
    _d = setup_inputs()
    print(jax.jit(kernel)(*tuple(_d.values())))

</pallas_src>

<mosaic_0001>
#map = affine_map<(d0, d1) -> (0, 0)>
#map1 = affine_map<(d0, d1) -> (0)>
module attributes {stable_mosaic.version = 14 : i64} {
  func.func @combine(%arg0: i32, %arg1: i32, %arg2: memref<6144x768xf32, #tpu.memory_space<hbm>>, %arg3: memref<2048xi32, #tpu.memory_space<hbm>>, %arg4: memref<2048x768xf32, #tpu.memory_space<hbm>>, %arg5: memref<64xi32, #tpu.memory_space<vmem>>, %arg6: memref<64x768xf32, #tpu.memory_space<vmem>>, %arg7: memref<!tpu.dma_semaphore, #tpu.memory_space<semaphore_mem>>) attributes {dimension_semantics = [#tpu.dimension_semantics<core_parallel>, #tpu.dimension_semantics<subcore_parallel>], iteration_bounds = array<i64: 2, 16>, scalar_prefetch = 0 : i64, scratch_operands = 3 : i64, tpu.core_type = #tpu.core_type<sc_vector_subcore>, window_params = [{transform_indices = #map}, {transform_indices = #map1}, {transform_indices = #map}]} {
    %mul3A = arith.constant 2 : i32
    %mul3A_0 = arith.muli %arg1, %mul3A : i32
    %add3A = arith.addi %mul3A_0, %arg0 : i32
    %mul3A_1 = arith.constant 64 : i32
    %mul3A_2 = arith.muli %add3A, %mul3A_1 : i32
    "tpu.region"() ({
      %run_scoped3A = tpu.sem_alloc : memref<!tpu.dma_semaphore, #tpu.memory_space<semaphore_mem>>
      %dma_start3A_7 = tpu.memref_slice %arg3[%mul3A_2] : memref<2048xi32, #tpu.memory_space<hbm>> -> memref<64xi32, #tpu.memory_space<hbm>>
      %dma_start3A_8 = tpu.memref_slice %arg3[%mul3A_2] : memref<2048xi32, #tpu.memory_space<hbm>> -> memref<64xi32, #tpu.memory_space<hbm>>
      tpu.enqueue_dma source(%dma_start3A_8 : memref<64xi32, #tpu.memory_space<hbm>>) target(%arg5 : memref<64xi32, #tpu.memory_space<vmem>>) target_semaphore(%run_scoped3A : memref<!tpu.dma_semaphore, #tpu.memory_space<semaphore_mem>>)
      %dma_wait3A_9 = tpu.memref_slice %arg3[%mul3A_2] : memref<2048xi32, #tpu.memory_space<hbm>> -> memref<64xi32, #tpu.memory_space<hbm>>
      %dma_wait3A_10 = tpu.memref_slice %arg3[%mul3A_2] : memref<2048xi32, #tpu.memory_space<hbm>> -> memref<64xi32, #tpu.memory_space<hbm>>
      tpu.wait_dma2 semaphore(%run_scoped3A : memref<!tpu.dma_semaphore, #tpu.memory_space<semaphore_mem>>) src(%dma_wait3A_10 : memref<64xi32, #tpu.memory_space<hbm>>) dst(%arg5 : memref<64xi32, #tpu.memory_space<vmem>>)
      tpu.yield
    }) : () -> ()
    %dma_start3A = arith.constant 0 : i32
    %dma_start3A_3 = arith.constant 0 : i32
    %dma_start3A_4 = tpu.memref_slice %arg2[%dma_start3A, %dma_start3A_3] : memref<6144x768xf32, #tpu.memory_space<hbm>> -> memref<6144x768xf32, #tpu.memory_space<hbm>>
    tpu.enqueue_indirect_dma source(%dma_start3A_4 : memref<6144x768xf32, #tpu.memory_space<hbm>>) target(%arg6 : memref<64x768xf32, #tpu.memory_space<vmem>>) offsets(%arg5 : memref<64xi32, #tpu.memory_space<vmem>>) semaphore(%arg7 : memref<!tpu.dma_semaphore, #tpu.memory_space<semaphore_mem>>)
    %dma_wait3A = arith.constant 0 : i32
    %dma_wait3A_5 = arith.constant 0 : i32
    %dma_wait3A_6 = tpu.memref_slice %arg2[%dma_wait3A, %dma_wait3A_5] : memref<6144x768xf32, #tpu.memory_space<hbm>> -> memref<6144x768xf32, #tpu.memory_space<hbm>>
    tpu.wait_indirect_dma semaphore(%arg7 : memref<!tpu.dma_semaphore, #tpu.memory_space<semaphore_mem>>) src(%dma_wait3A_6 : memref<6144x768xf32, #tpu.memory_space<hbm>>) dst(%arg6 : memref<64x768xf32, #tpu.memory_space<vmem>>)
    "tpu.region"() ({
      %run_scoped3A = tpu.sem_alloc : memref<!tpu.dma_semaphore, #tpu.memory_space<semaphore_mem>>
      %dma_start3A_7 = arith.constant 0 : i32
      %dma_start3A_8 = tpu.memref_slice %arg4[%mul3A_2, %dma_start3A_7] : memref<2048x768xf32, #tpu.memory_space<hbm>> -> memref<64x768xf32, #tpu.memory_space<hbm>>
      %dma_start3A_9 = arith.constant 0 : i32
      %dma_start3A_10 = tpu.memref_slice %arg4[%mul3A_2, %dma_start3A_9] : memref<2048x768xf32, #tpu.memory_space<hbm>> -> memref<64x768xf32, #tpu.memory_space<hbm>>
      tpu.enqueue_dma source(%arg6 : memref<64x768xf32, #tpu.memory_space<vmem>>) target(%dma_start3A_10 : memref<64x768xf32, #tpu.memory_space<hbm>>) target_semaphore(%run_scoped3A : memref<!tpu.dma_semaphore, #tpu.memory_space<semaphore_mem>>)
      %dma_wait3A_11 = arith.constant 0 : i32
      %dma_wait3A_12 = tpu.memref_slice %arg4[%mul3A_2, %dma_wait3A_11] : memref<2048x768xf32, #tpu.memory_space<hbm>> -> memref<64x768xf32, #tpu.memory_space<hbm>>
      %dma_wait3A_13 = arith.constant 0 : i32
      %dma_wait3A_14 = tpu.memref_slice %arg4[%mul3A_2, %dma_wait3A_13] : memref<2048x768xf32, #tpu.memory_space<hbm>> -> memref<64x768xf32, #tpu.memory_space<hbm>>
      tpu.wait_dma2 semaphore(%run_scoped3A : memref<!tpu.dma_semaphore, #tpu.memory_space<semaphore_mem>>) src(%arg6 : memref<64x768xf32, #tpu.memory_space<vmem>>) dst(%dma_wait3A_14 : memref<64x768xf32, #tpu.memory_space<hbm>>)
      tpu.yield
    }) : () -> ()
    return
  }
}

#map = affine_map<(d0, d1) -> (0, 0)>
#map1 = affine_map<(d0, d1) -> (0)>
module attributes {stable_mosaic.version = 14 : i64} {
  func.func @dispatch(%arg0: i32, %arg1: i32, %arg2: memref<2048x768xf32, #tpu.memory_space<hbm>>, %arg3: memref<2048xi32, #tpu.memory_space<hbm>>, %arg4: memref<6144x768xf32, #tpu.memory_space<hbm>>, %arg5: memref<64xi32, #tpu.memory_space<vmem>>, %arg6: memref<64x768xf32, #tpu.memory_space<vmem>>, %arg7: memref<!tpu.dma_semaphore, #tpu.memory_space<semaphore_mem>>) attributes {dimension_semantics = [#tpu.dimension_semantics<core_parallel>, #tpu.dimension_semantics<subcore_parallel>], iteration_bounds = array<i64: 2, 16>, scalar_prefetch = 0 : i64, scratch_operands = 3 : i64, tpu.core_type = #tpu.core_type<sc_vector_subcore>, window_params = [{transform_indices = #map}, {transform_indices = #map1}, {transform_indices = #map}]} {
    %mul3A = arith.constant 2 : i32
    %mul3A_0 = arith.muli %arg1, %mul3A : i32
    %add3A = arith.addi %mul3A_0, %arg0 : i32
    %mul3A_1 = arith.constant 64 : i32
    %mul3A_2 = arith.muli %add3A, %mul3A_1 : i32
    "tpu.region"() ({
      %run_scoped3A = tpu.sem_alloc : memref<!tpu.dma_semaphore, #tpu.memory_space<semaphore_mem>>
      %dma_start3A_7 = tpu.memref_slice %arg3[%mul3A_2] : memref<2048xi32, #tpu.memory_space<hbm>> -> memref<64xi32, #tpu.memory_space<hbm>>
      %dma_start3A_8 = tpu.memref_slice %arg3[%mul3A_2] : memref<2048xi32, #tpu.memory_space<hbm>> -> memref<64xi32, #tpu.memory_space<hbm>>
      tpu.enqueue_dma source(%dma_start3A_8 : memref<64xi32, #tpu.memory_space<hbm>>) target(%arg5 : memref<64xi32, #tpu.memory_space<vmem>>) target_semaphore(%run_scoped3A : memref<!tpu.dma_semaphore, #tpu.memory_space<semaphore_mem>>)
      %dma_wait3A_9 = tpu.memref_slice %arg3[%mul3A_2] : memref<2048xi32, #tpu.memory_space<hbm>> -> memref<64xi32, #tpu.memory_space<hbm>>
      %dma_wait3A_10 = tpu.memref_slice %arg3[%mul3A_2] : memref<2048xi32, #tpu.memory_space<hbm>> -> memref<64xi32, #tpu.memory_space<hbm>>
      tpu.wait_dma2 semaphore(%run_scoped3A : memref<!tpu.dma_semaphore, #tpu.memory_space<semaphore_mem>>) src(%dma_wait3A_10 : memref<64xi32, #tpu.memory_space<hbm>>) dst(%arg5 : memref<64xi32, #tpu.memory_space<vmem>>)
      tpu.yield
    }) : () -> ()
    "tpu.region"() ({
      %run_scoped3A = tpu.sem_alloc : memref<!tpu.dma_semaphore, #tpu.memory_space<semaphore_mem>>
      %dma_start3A_7 = arith.constant 0 : i32
      %dma_start3A_8 = tpu.memref_slice %arg2[%mul3A_2, %dma_start3A_7] : memref<2048x768xf32, #tpu.memory_space<hbm>> -> memref<64x768xf32, #tpu.memory_space<hbm>>
      %dma_start3A_9 = arith.constant 0 : i32
      %dma_start3A_10 = tpu.memref_slice %arg2[%mul3A_2, %dma_start3A_9] : memref<2048x768xf32, #tpu.memory_space<hbm>> -> memref<64x768xf32, #tpu.memory_space<hbm>>
      tpu.enqueue_dma source(%dma_start3A_10 : memref<64x768xf32, #tpu.memory_space<hbm>>) target(%arg6 : memref<64x768xf32, #tpu.memory_space<vmem>>) target_semaphore(%run_scoped3A : memref<!tpu.dma_semaphore, #tpu.memory_space<semaphore_mem>>)
      %dma_wait3A_11 = arith.constant 0 : i32
      %dma_wait3A_12 = tpu.memref_slice %arg2[%mul3A_2, %dma_wait3A_11] : memref<2048x768xf32, #tpu.memory_space<hbm>> -> memref<64x768xf32, #tpu.memory_space<hbm>>
      %dma_wait3A_13 = arith.constant 0 : i32
      %dma_wait3A_14 = tpu.memref_slice %arg2[%mul3A_2, %dma_wait3A_13] : memref<2048x768xf32, #tpu.memory_space<hbm>> -> memref<64x768xf32, #tpu.memory_space<hbm>>
      tpu.wait_dma2 semaphore(%run_scoped3A : memref<!tpu.dma_semaphore, #tpu.memory_space<semaphore_mem>>) src(%dma_wait3A_14 : memref<64x768xf32, #tpu.memory_space<hbm>>) dst(%arg6 : memref<64x768xf32, #tpu.memory_space<vmem>>)
      tpu.yield
    }) : () -> ()
    %dma_start3A = arith.constant 0 : i32
    %dma_start3A_3 = arith.constant 0 : i32
    %dma_start3A_4 = tpu.memref_slice %arg4[%dma_start3A, %dma_start3A_3] : memref<6144x768xf32, #tpu.memory_space<hbm>> -> memref<6144x768xf32, #tpu.memory_space<hbm>>
    tpu.enqueue_indirect_dma source(%arg6 : memref<64x768xf32, #tpu.memory_space<vmem>>) target(%dma_start3A_4 : memref<6144x768xf32, #tpu.memory_space<hbm>>) offsets(%arg5 : memref<64xi32, #tpu.memory_space<vmem>>) semaphore(%arg7 : memref<!tpu.dma_semaphore, #tpu.memory_space<semaphore_mem>>)
    %dma_wait3A = arith.constant 0 : i32
    %dma_wait3A_5 = arith.constant 0 : i32
    %dma_wait3A_6 = tpu.memref_slice %arg4[%dma_wait3A, %dma_wait3A_5] : memref<6144x768xf32, #tpu.memory_space<hbm>> -> memref<6144x768xf32, #tpu.memory_space<hbm>>
    tpu.wait_indirect_dma semaphore(%arg7 : memref<!tpu.dma_semaphore, #tpu.memory_space<semaphore_mem>>) src(%arg6 : memref<64x768xf32, #tpu.memory_space<vmem>>) dst(%dma_wait3A_6 : memref<6144x768xf32, #tpu.memory_space<hbm>>)
    return
  }
}

module attributes {stable_mosaic.version = 14 : i64} {
  func.func @_router_body(%arg0: memref<2048x768xf32, #tpu.memory_space<vmem>>, %arg1: memref<16x768xf32, #tpu.memory_space<vmem>>, %arg2: memref<1x16xf32, #tpu.memory_space<vmem>>, %arg3: memref<2048x16xf32, #tpu.memory_space<vmem>>, %arg4: memref<2048xi32, #tpu.memory_space<vmem>>, %arg5: memref<24x8xi32, #tpu.memory_space<vmem>>) attributes {dimension_semantics = [], scalar_prefetch = 0 : i64, scratch_operands = 0 : i64, tpu.core_type = #tpu.core_type<tc>} {
    %get3A = arith.constant 0 : index
    %get3A_0 = arith.constant 0 : index
    %get3A_1 = vector.load %arg0[%get3A, %get3A_0] : memref<2048x768xf32, #tpu.memory_space<vmem>>, vector<2048x768xf32>
    %get3A_2 = arith.constant 0 : index
    %get3A_3 = arith.constant 0 : index
    %get3A_4 = vector.load %arg1[%get3A_2, %get3A_3] : memref<16x768xf32, #tpu.memory_space<vmem>>, vector<16x768xf32>
    %dot_general3A = arith.constant dense<0.000000e+00> : vector<2048x16xf32>
    %dot_general3A_5 = tpu.matmul %get3A_1, %get3A_4, %dot_general3A {dimension_numbers = #tpu.dot_dimension_numbers<[1], [1], [0], [0], [0, 0, 1, 0], [], []>, transpose_lhs_hint = false} : vector<2048x768xf32>, vector<16x768xf32>, vector<2048x16xf32> -> vector<2048x16xf32>
    %get3A_6 = arith.constant 0 : index
    %get3A_7 = arith.constant 0 : index
    %get3A_8 = vector.load %arg2[%get3A_6, %get3A_7] : memref<1x16xf32, #tpu.memory_space<vmem>>, vector<1x16xf32>
    %add3A = vector.broadcast %get3A_8 : vector<1x16xf32> to vector<2048x16xf32>
    %add3A_9 = arith.addf %dot_general3A_5, %add3A : vector<2048x16xf32>
    %reduce_max3A = arith.constant dense<0xFF800000> : vector<2048xf32>
    %reduce_max3A_10 = vector.multi_reduction <maximumf>, %add3A_9, %reduce_max3A [1] : vector<2048x16xf32> to vector<2048xf32>
    %broadcast_in_dim3A = vector.shape_cast %reduce_max3A_10 : vector<2048xf32> to vector<2048x1xf32>
    %sub3A = vector.broadcast %broadcast_in_dim3A : vector<2048x1xf32> to vector<2048x16xf32>
    %sub3A_11 = arith.subf %add3A_9, %sub3A : vector<2048x16xf32>
    %exp3A = math.exp %sub3A_11 : vector<2048x16xf32>
    %reduce_sum3A = arith.constant dense<0.000000e+00> : vector<2048xf32>
    %reduce_sum3A_12 = vector.multi_reduction <add>, %exp3A, %reduce_sum3A [1] : vector<2048x16xf32> to vector<2048xf32>
    %broadcast_in_dim3A_13 = vector.shape_cast %reduce_sum3A_12 : vector<2048xf32> to vector<2048x1xf32>
    %div3A = vector.broadcast %broadcast_in_dim3A_13 : vector<2048x1xf32> to vector<2048x16xf32>
    %div3A_14 = arith.divf %exp3A, %div3A : vector<2048x16xf32>
    %swap3A = arith.constant 0 : index
    %swap3A_15 = arith.constant 0 : index
    %swap3A_16 = vector.load %arg3[%swap3A, %swap3A_15] : memref<2048x16xf32, #tpu.memory_space<vmem>>, vector<2048x16xf32>
    tpu.vector_store %arg3[%swap3A, %swap3A_15], %div3A_14 {strides = array<i32>} : memref<2048x16xf32, #tpu.memory_space<vmem>>, vector<2048x16xf32>,
    %iota3A = tpu.iota {dimensions = array<i32: 1>} : vector<2048x16xi32>
    %convert_element_type3A = arith.sitofp %iota3A : vector<2048x16xi32> to vector<2048x16xf32>
    %reduce_max3A_17 = arith.constant dense<0xFF800000> : vector<2048xf32>
    %reduce_max3A_18 = vector.multi_reduction <maximumf>, %div3A_14, %reduce_max3A_17 [1] : vector<2048x16xf32> to vector<2048xf32>
    %broadcast_in_dim3A_19 = vector.shape_cast %reduce_max3A_18 : vector<2048xf32> to vector<2048x1xf32>
    %eq3A = vector.broadcast %broadcast_in_dim3A_19 : vector<2048x1xf32> to vector<2048x16xf32>
    %eq3A_20 = arith.cmpf oeq, %div3A_14, %eq3A : vector<2048x16xf32>
    %jit3A = arith.constant 1.600000e+01 : f32
    %broadcast_in_dim3A_21 = vector.broadcast %jit3A : f32 to vector<2048x16xf32>
    %select_n3A = arith.select %eq3A_20, %convert_element_type3A, %broadcast_in_dim3A_21 : vector<2048x16xi1>, vector<2048x16xf32>
    %reduce_min3A = arith.constant dense<0x7F800000> : vector<2048xf32>
    %reduce_min3A_22 = vector.multi_reduction <minimumf>, %select_n3A, %reduce_min3A [1] : vector<2048x16xf32> to vector<2048xf32>
    %broadcast_in_dim3A_23 = vector.shape_cast %reduce_min3A_22 : vector<2048xf32> to vector<2048x1xf32>
    %eq3A_24 = vector.broadcast %broadcast_in_dim3A_23 : vector<2048x1xf32> to vector<2048x16xf32>
    %eq3A_25 = arith.cmpf oeq, %convert_element_type3A, %eq3A_24 : vector<2048x16xf32>
    %convert_element_type3A_26 = arith.extui %eq3A_25 : vector<2048x16xi1> to vector<2048x16xi32>
    %convert_element_type3A_27 = arith.sitofp %convert_element_type3A_26 : vector<2048x16xi32> to vector<2048x16xf32>
    %iota3A_28 = tpu.iota {dimensions = array<i32: 0>} : vector<128x128xi32>
    %iota3A_29 = tpu.iota {dimensions = array<i32: 1>} : vector<128x128xi32>
    %le3A = arith.cmpi sle, %iota3A_29, %iota3A_28 : vector<128x128xi32>
    %convert_element_type3A_30 = arith.extui %le3A : vector<128x128xi1> to vector<128x128xi32>
    %convert_element_type3A_31 = arith.sitofp %convert_element_type3A_30 : vector<128x128xi32> to vector<128x128xf32>
    %broadcast_in_dim3A_32 = arith.constant 0.000000e+00 : f32
    %broadcast_in_dim3A_33 = vector.broadcast %broadcast_in_dim3A_32 : f32 to vector<1x16xf32>
    %slice3A = vector.extract_strided_slice %convert_element_type3A_27 {offsets = [0, 0], sizes = [128, 16], strides = [1, 1]} : vector<2048x16xf32> to vector<128x16xf32>
    %dot_general3A_34 = arith.constant dense<0.000000e+00> : vector<128x16xf32>
    %dot_general3A_35 = tpu.matmul %convert_element_type3A_31, %slice3A, %dot_general3A_34 {dimension_numbers = #tpu.dot_dimension_numbers<[1], [0], [0], [1], [0, 0, 1, 1], [], []>, transpose_lhs_hint = false} : vector<128x128xf32>, vector<128x16xf32>, vector<128x16xf32> -> vector<128x16xf32>
    %add3A_36 = vector.broadcast %broadcast_in_dim3A_33 : vector<1x16xf32> to vector<128x16xf32>
    %add3A_37 = arith.addf %dot_general3A_35, %add3A_36 : vector<128x16xf32>
    %reduce_sum3A_38 = arith.constant dense<0.000000e+00> : vector<16xf32>
    %reduce_sum3A_39 = vector.multi_reduction <add>, %slice3A, %reduce_sum3A_38 [0] : vector<128x16xf32> to vector<16xf32>
    %broadcast_in_dim3A_40 = vector.shape_cast %reduce_sum3A_39 : vector<16xf32> to vector<1x16xf32>
    %add3A_41 = arith.addf %broadcast_in_dim3A_33, %broadcast_in_dim3A_40 : vector<1x16xf32>
    %slice3A_42 = vector.extract_strided_slice %convert_element_type3A_27 {offsets = [128, 0], sizes = [128, 16], strides = [1, 1]} : vector<2048x16xf32> to vector<128x16xf32>
    %dot_general3A_43 = arith.constant dense<0.000000e+00> : vector<128x16xf32>
    %dot_general3A_44 = tpu.matmul %convert_element_type3A_31, %slice3A_42, %dot_general3A_43 {dimension_numbers = #tpu.dot_dimension_numbers<[1], [0], [0], [1], [0, 0, 1, 1], [], []>, transpose_lhs_hint = false} : vector<128x128xf32>, vector<128x16xf32>, vector<128x16xf32> -> vector<128x16xf32>
    %add3A_45 = vector.broadcast %add3A_41 : vector<1x16xf32> to vector<128x16xf32>
    %add3A_46 = arith.addf %dot_general3A_44, %add3A_45 : vector<128x16xf32>
    %reduce_sum3A_47 = arith.constant dense<0.000000e+00> : vector<16xf32>
    %reduce_sum3A_48 = vector.multi_reduction <add>, %slice3A_42, %reduce_sum3A_47 [0] : vector<128x16xf32> to vector<16xf32>
    %broadcast_in_dim3A_49 = vector.shape_cast %reduce_sum3A_48 : vector<16xf32> to vector<1x16xf32>
    %add3A_50 = arith.addf %add3A_41, %broadcast_in_dim3A_49 : vector<1x16xf32>
    %slice3A_51 = vector.extract_strided_slice %convert_element_type3A_27 {offsets = [256, 0], sizes = [128, 16], strides = [1, 1]} : vector<2048x16xf32> to vector<128x16xf32>
    %dot_general3A_52 = arith.constant dense<0.000000e+00> : vector<128x16xf32>
    %dot_general3A_53 = tpu.matmul %convert_element_type3A_31, %slice3A_51, %dot_general3A_52 {dimension_numbers = #tpu.dot_dimension_numbers<[1], [0], [0], [1], [0, 0, 1, 1], [], []>, transpose_lhs_hint = false} : vector<128x128xf32>, vector<128x16xf32>, vector<128x16xf32> -> vector<128x16xf32>
    %add3A_54 = vector.broadcast %add3A_50 : vector<1x16xf32> to vector<128x16xf32>
    %add3A_55 = arith.addf %dot_general3A_53, %add3A_54 : vector<128x16xf32>
    %reduce_sum3A_56 = arith.constant dense<0.000000e+00> : vector<16xf32>
    %reduce_sum3A_57 = vector.multi_reduction <add>, %slice3A_51, %reduce_sum3A_56 [0] : vector<128x16xf32> to vector<16xf32>
    %broadcast_in_dim3A_58 = vector.shape_cast %reduce_sum3A_57 : vector<16xf32> to vector<1x16xf32>
    %add3A_59 = arith.addf %add3A_50, %broadcast_in_dim3A_58 : vector<1x16xf32>
    %slice3A_60 = vector.extract_strided_slice %convert_element_type3A_27 {offsets = [384, 0], sizes = [128, 16], strides = [1, 1]} : vector<2048x16xf32> to vector<128x16xf32>
    %dot_general3A_61 = arith.constant dense<0.000000e+00> : vector<128x16xf32>
    %dot_general3A_62 = tpu.matmul %convert_element_type3A_31, %slice3A_60, %dot_general3A_61 {dimension_numbers = #tpu.dot_dimension_numbers<[1], [0], [0], [1], [0, 0, 1, 1], [], []>, transpose_lhs_hint = false} : vector<128x128xf32>, vector<128x16xf32>, vector<128x16xf32> -> vector<128x16xf32>
    %add3A_63 = vector.broadcast %add3A_59 : vector<1x16xf32> to vector<128x16xf32>
    %add3A_64 = arith.addf %dot_general3A_62, %add3A_63 : vector<128x16xf32>
    %reduce_sum3A_65 = arith.constant dense<0.000000e+00> : vector<16xf32>
    %reduce_sum3A_66 = vector.multi_reduction <add>, %slice3A_60, %reduce_sum3A_65 [0] : vector<128x16xf32> to vector<16xf32>
    %broadcast_in_dim3A_67 = vector.shape_cast %reduce_sum3A_66 : vector<16xf32> to vector<1x16xf32>
    %add3A_68 = arith.addf %add3A_59, %broadcast_in_dim3A_67 : vector<1x16xf32>
    %slice3A_69 = vector.extract_strided_slice %convert_element_type3A_27 {offsets = [512, 0], sizes = [128, 16], strides = [1, 1]} : vector<2048x16xf32> to vector<128x16xf32>
    %dot_general3A_70 = arith.constant dense<0.000000e+00> : vector<128x16xf32>
    %dot_general3A_71 = tpu.matmul %convert_element_type3A_31, %slice3A_69, %dot_general3A_70 {dimension_numbers = #tpu.dot_dimension_numbers<[1], [0], [0], [1], [0, 0, 1, 1], [], []>, transpose_lhs_hint = false} : vector<128x128xf32>, vector<128x16xf32>, vector<128x16xf32> -> vector<128x16xf32>
    %add3A_72 = vector.broadcast %add3A_68 : vector<1x16xf32> to vector<128x16xf32>
    %add3A_73 = arith.addf %dot_general3A_71, %add3A_72 : vector<128x16xf32>
    %reduce_sum3A_74 = arith.constant dense<0.000000e+00> : vector<16xf32>
    %reduce_sum3A_75 = vector.multi_reduction <add>, %slice3A_69, %reduce_sum3A_74 [0] : vector<128x16xf32> to vector<16xf32>
    %broadcast_in_dim3A_76 = vector.shape_cast %reduce_sum3A_75 : vector<16xf32> to vector<1x16xf32>
    %add3A_77 = arith.addf %add3A_68, %broadcast_in_dim3A_76 : vector<1x16xf32>
    %slice3A_78 = vector.extract_strided_slice %convert_element_type3A_27 {offsets = [640, 0], sizes = [128, 16], strides = [1, 1]} : vector<2048x16xf32> to vector<128x16xf32>
    %dot_general3A_79 = arith.constant dense<0.000000e+00> : vector<128x16xf32>
    %dot_general3A_80 = tpu.matmul %convert_element_type3A_31, %slice3A_78, %dot_general3A_79 {dimension_numbers = #tpu.dot_dimension_numbers<[1], [0], [0], [1], [0, 0, 1, 1], [], []>, transpose_lhs_hint = false} : vector<128x128xf32>, vector<128x16xf32>, vector<128x16xf32> -> vector<128x16xf32>
    %add3A_81 = vector.broadcast %add3A_77 : vector<1x16xf32> to vector<128x16xf32>
    %add3A_82 = arith.addf %dot_general3A_80, %add3A_81 : vector<128x16xf32>
    %reduce_sum3A_83 = arith.constant dense<0.000000e+00> : vector<16xf32>
    %reduce_sum3A_84 = vector.multi_reduction <add>, %slice3A_78, %reduce_sum3A_83 [0] : vector<128x16xf32> to vector<16xf32>
    %broadcast_in_dim3A_85 = vector.shape_cast %reduce_sum3A_84 : vector<16xf32> to vector<1x16xf32>
    %add3A_86 = arith.addf %add3A_77, %broadcast_in_dim3A_85 : vector<1x16xf32>
    %slice3A_87 = vector.extract_strided_slice %convert_element_type3A_27 {offsets = [768, 0], sizes = [128, 16], strides = [1, 1]} : vector<2048x16xf32> to vector<128x16xf32>
    %dot_general3A_88 = arith.constant dense<0.000000e+00> : vector<128x16xf32>
    %dot_general3A_89 = tpu.matmul %convert_element_type3A_31, %slice3A_87, %dot_general3A_88 {dimension_numbers = #tpu.dot_dimension_numbers<[1], [0], [0], [1], [0, 0, 1, 1], [], []>, transpose_lhs_hint = false} : vector<128x128xf32>, vector<128x16xf32>, vector<128x16xf32> -> vector<128x16xf32>
    %add3A_90 = vector.broadcast %add3A_86 : vector<1x16xf32> to vector<128x16xf32>
    %add3A_91 = arith.addf %dot_general3A_89, %add3A_90 : vector<128x16xf32>
    %reduce_sum3A_92 = arith.constant dense<0.000000e+00> : vector<16xf32>
    %reduce_sum3A_93 = vector.multi_reduction <add>, %slice3A_87, %reduce_sum3A_92 [0] : vector<128x16xf32> to vector<16xf32>
    %broadcast_in_dim3A_94 = vector.shape_cast %reduce_sum3A_93 : vector<16xf32> to vector<1x16xf32>
    %add3A_95 = arith.addf %add3A_86, %broadcast_in_dim3A_94 : vector<1x16xf32>
    %slice3A_96 = vector.extract_strided_slice %convert_element_type3A_27 {offsets = [896, 0], sizes = [128, 16], strides = [1, 1]} : vector<2048x16xf32> to vector<128x16xf32>
    %dot_general3A_97 = arith.constant dense<0.000000e+00> : vector<128x16xf32>
    %dot_general3A_98 = tpu.matmul %convert_element_type3A_31, %slice3A_96, %dot_general3A_97 {dimension_numbers = #tpu.dot_dimension_numbers<[1], [0], [0], [1], [0, 0, 1, 1], [], []>, transpose_lhs_hint = false} : vector<128x128xf32>, vector<128x16xf32>, vector<128x16xf32> -> vector<128x16xf32>
    %add3A_99 = vector.broadcast %add3A_95 : vector<1x16xf32> to vector<128x16xf32>
    %add3A_100 = arith.addf %dot_general3A_98, %add3A_99 : vector<128x16xf32>
    %reduce_sum3A_101 = arith.constant dense<0.000000e+00> : vector<16xf32>
    %reduce_sum3A_102 = vector.multi_reduction <add>, %slice3A_96, %reduce_sum3A_101 [0] : vector<128x16xf32> to vector<16xf32>
    %broadcast_in_dim3A_103 = vector.shape_cast %reduce_sum3A_102 : vector<16xf32> to vector<1x16xf32>
    %add3A_104 = arith.addf %add3A_95, %broadcast_in_dim3A_103 : vector<1x16xf32>
    %slice3A_105 = vector.extract_strided_slice %convert_element_type3A_27 {offsets = [1024, 0], sizes = [128, 16], strides = [1, 1]} : vector<2048x16xf32> to vector<128x16xf32>
    %dot_general3A_106 = arith.constant dense<0.000000e+00> : vector<128x16xf32>
    %dot_general3A_107 = tpu.matmul %convert_element_type3A_31, %slice3A_105, %dot_general3A_106 {dimension_numbers = #tpu.dot_dimension_numbers<[1], [0], [0], [1], [0, 0, 1, 1], [], []>, transpose_lhs_hint = false} : vector<128x128xf32>, vector<128x16xf32>, vector<128x16xf32> -> vector<128x16xf32>
    %add3A_108 = vector.broadcast %add3A_104 : vector<1x16xf32> to vector<128x16xf32>
    %add3A_109 = arith.addf %dot_general3A_107, %add3A_108 : vector<128x16xf32>
    %reduce_sum3A_110 = arith.constant dense<0.000000e+00> : vector<16xf32>
    %reduce_sum3A_111 = vector.multi_reduction <add>, %slice3A_105, %reduce_sum3A_110 [0] : vector<128x16xf32> to vector<16xf32>
    %broadcast_in_dim3A_112 = vector.shape_cast %reduce_sum3A_111 : vector<16xf32> to vector<1x16xf32>
    %add3A_113 = arith.addf %add3A_104, %broadcast_in_dim3A_112 : vector<1x16xf32>
    %slice3A_114 = vector.extract_strided_slice %convert_element_type3A_27 {offsets = [1152, 0], sizes = [128, 16], strides = [1, 1]} : vector<2048x16xf32> to vector<128x16xf32>
    %dot_general3A_115 = arith.constant dense<0.000000e+00> : vector<128x16xf32>
    %dot_general3A_116 = tpu.matmul %convert_element_type3A_31, %slice3A_114, %dot_general3A_115 {dimension_numbers = #tpu.dot_dimension_numbers<[1], [0], [0], [1], [0, 0, 1, 1], [], []>, transpose_lhs_hint = false} : vector<128x128xf32>, vector<128x16xf32>, vector<128x16xf32> -> vector<128x16xf32>
    %add3A_117 = vector.broadcast %add3A_113 : vector<1x16xf32> to vector<128x16xf32>
    %add3A_118 = arith.addf %dot_general3A_116, %add3A_117 : vector<128x16xf32>
    %reduce_sum3A_119 = arith.constant dense<0.000000e+00> : vector<16xf32>
    %reduce_sum3A_120 = vector.multi_reduction <add>, %slice3A_114, %reduce_sum3A_119 [0] : vector<128x16xf32> to vector<16xf32>
    %broadcast_in_dim3A_121 = vector.shape_cast %reduce_sum3A_120 : vector<16xf32> to vector<1x16xf32>
    %add3A_122 = arith.addf %add3A_113, %broadcast_in_dim3A_121 : vector<1x16xf32>
    %slice3A_123 = vector.extract_strided_slice %convert_element_type3A_27 {offsets = [1280, 0], sizes = [128, 16], strides = [1, 1]} : vector<2048x16xf32> to vector<128x16xf32>
    %dot_general3A_124 = arith.constant dense<0.000000e+00> : vector<128x16xf32>
    %dot_general3A_125 = tpu.matmul %convert_element_type3A_31, %slice3A_123, %dot_general3A_124 {dimension_numbers = #tpu.dot_dimension_numbers<[1], [0], [0], [1], [0, 0, 1, 1], [], []>, transpose_lhs_hint = false} : vector<128x128xf32>, vector<128x16xf32>, vector<128x16xf32> -> vector<128x16xf32>
    %add3A_126 = vector.broadcast %add3A_122 : vector<1x16xf32> to vector<128x16xf32>
    %add3A_127 = arith.addf %dot_general3A_125, %add3A_126 : vector<128x16xf32>
    %reduce_sum3A_128 = arith.constant dense<0.000000e+00> : vector<16xf32>
    %reduce_sum3A_129 = vector.multi_reduction <add>, %slice3A_123, %reduce_sum3A_128 [0] : vector<128x16xf32> to vector<16xf32>
    %broadcast_in_dim3A_130 = vector.shape_cast %reduce_sum3A_129 : vector<16xf32> to vector<1x16xf32>
    %add3A_131 = arith.addf %add3A_122, %broadcast_in_dim3A_130 : vector<1x16xf32>
    %slice3A_132 = vector.extract_strided_slice %convert_element_type3A_27 {offsets = [1408, 0], sizes = [128, 16], strides = [1, 1]} : vector<2048x16xf32> to vector<128x16xf32>
    %dot_general3A_133 = arith.constant dense<0.000000e+00> : vector<128x16xf32>
    %dot_general3A_134 = tpu.matmul %convert_element_type3A_31, %slice3A_132, %dot_general3A_133 {dimension_numbers = #tpu.dot_dimension_numbers<[1], [0], [0], [1], [0, 0, 1, 1], [], []>, transpose_lhs_hint = false} : vector<128x128xf32>, vector<128x16xf32>, vector<128x16xf32> -> vector<128x16xf32>
    %add3A_135 = vector.broadcast %add3A_131 : vector<1x16xf32> to vector<128x16xf32>
    %add3A_136 = arith.addf %dot_general3A_134, %add3A_135 : vector<128x16xf32>
    %reduce_sum3A_137 = arith.constant dense<0.000000e+00> : vector<16xf32>
    %reduce_sum3A_138 = vector.multi_reduction <add>, %slice3A_132, %reduce_sum3A_137 [0] : vector<128x16xf32> to vector<16xf32>
    %broadcast_in_dim3A_139 = vector.shape_cast %reduce_sum3A_138 : vector<16xf32> to vector<1x16xf32>
    %add3A_140 = arith.addf %add3A_131, %broadcast_in_dim3A_139 : vector<1x16xf32>
    %slice3A_141 = vector.extract_strided_slice %convert_element_type3A_27 {offsets = [1536, 0], sizes = [128, 16], strides = [1, 1]} : vector<2048x16xf32> to vector<128x16xf32>
    %dot_general3A_142 = arith.constant dense<0.000000e+00> : vector<128x16xf32>
    %dot_general3A_143 = tpu.matmul %convert_element_type3A_31, %slice3A_141, %dot_general3A_142 {dimension_numbers = #tpu.dot_dimension_numbers<[1], [0], [0], [1], [0, 0, 1, 1], [], []>, transpose_lhs_hint = false} : vector<128x128xf32>, vector<128x16xf32>, vector<128x16xf32> -> vector<128x16xf32>
    %add3A_144 = vector.broadcast %add3A_140 : vector<1x16xf32> to vector<128x16xf32>
    %add3A_145 = arith.addf %dot_general3A_143, %add3A_144 : vector<128x16xf32>
    %reduce_sum3A_146 = arith.constant dense<0.000000e+00> : vector<16xf32>
    %reduce_sum3A_147 = vector.multi_reduction <add>, %slice3A_141, %reduce_sum3A_146 [0] : vector<128x16xf32> to vector<16xf32>
    %broadcast_in_dim3A_148 = vector.shape_cast %reduce_sum3A_147 : vector<16xf32> to vector<1x16xf32>
    %add3A_149 = arith.addf %add3A_140, %broadcast_in_dim3A_148 : vector<1x16xf32>
    %slice3A_150 = vector.extract_strided_slice %convert_element_type3A_27 {offsets = [1664, 0], sizes = [128, 16], strides = [1, 1]} : vector<2048x16xf32> to vector<128x16xf32>
    %dot_general3A_151 = arith.constant dense<0.000000e+00> : vector<128x16xf32>
    %dot_general3A_152 = tpu.matmul %convert_element_type3A_31, %slice3A_150, %dot_general3A_151 {dimension_numbers = #tpu.dot_dimension_numbers<[1], [0], [0], [1], [0, 0, 1, 1], [], []>, transpose_lhs_hint = false} : vector<128x128xf32>, vector<128x16xf32>, vector<128x16xf32> -> vector<128x16xf32>
    %add3A_153 = vector.broadcast %add3A_149 : vector<1x16xf32> to vector<128x16xf32>
    %add3A_154 = arith.addf %dot_general3A_152, %add3A_153 : vector<128x16xf32>
    %reduce_sum3A_155 = arith.constant dense<0.000000e+00> : vector<16xf32>
    %reduce_sum3A_156 = vector.multi_reduction <add>, %slice3A_150, %reduce_sum3A_155 [0] : vector<128x16xf32> to vector<16xf32>
    %broadcast_in_dim3A_157 = vector.shape_cast %reduce_sum3A_156 : vector<16xf32> to vector<1x16xf32>
    %add3A_158 = arith.addf %add3A_149, %broadcast_in_dim3A_157 : vector<1x16xf32>
    %slice3A_159 = vector.extract_strided_slice %convert_element_type3A_27 {offsets = [1792, 0], sizes = [128, 16], strides = [1, 1]} : vector<2048x16xf32> to vector<128x16xf32>
    %dot_general3A_160 = arith.constant dense<0.000000e+00> : vector<128x16xf32>
    %dot_general3A_161 = tpu.matmul %convert_element_type3A_31, %slice3A_159, %dot_general3A_160 {dimension_numbers = #tpu.dot_dimension_numbers<[1], [0], [0], [1], [0, 0, 1, 1], [], []>, transpose_lhs_hint = false} : vector<128x128xf32>, vector<128x16xf32>, vector<128x16xf32> -> vector<128x16xf32>
    %add3A_162 = vector.broadcast %add3A_158 : vector<1x16xf32> to vector<128x16xf32>
    %add3A_163 = arith.addf %dot_general3A_161, %add3A_162 : vector<128x16xf32>
    %reduce_sum3A_164 = arith.constant dense<0.000000e+00> : vector<16xf32>
    %reduce_sum3A_165 = vector.multi_reduction <add>, %slice3A_159, %reduce_sum3A_164 [0] : vector<128x16xf32> to vector<16xf32>
    %broadcast_in_dim3A_166 = vector.shape_cast %reduce_sum3A_165 : vector<16xf32> to vector<1x16xf32>
    %add3A_167 = arith.addf %add3A_158, %broadcast_in_dim3A_166 : vector<1x16xf32>
    %slice3A_168 = vector.extract_strided_slice %convert_element_type3A_27 {offsets = [1920, 0], sizes = [128, 16], strides = [1, 1]} : vector<2048x16xf32> to vector<128x16xf32>
    %dot_general3A_169 = arith.constant dense<0.000000e+00> : vector<128x16xf32>
    %dot_general3A_170 = tpu.matmul %convert_element_type3A_31, %slice3A_168, %dot_general3A_169 {dimension_numbers = #tpu.dot_dimension_numbers<[1], [0], [0], [1], [0, 0, 1, 1], [], []>, transpose_lhs_hint = false} : vector<128x128xf32>, vector<128x16xf32>, vector<128x16xf32> -> vector<128x16xf32>
    %add3A_171 = vector.broadcast %add3A_167 : vector<1x16xf32> to vector<128x16xf32>
    %add3A_172 = arith.addf %dot_general3A_170, %add3A_171 : vector<128x16xf32>
    %reduce_sum3A_173 = arith.constant dense<0.000000e+00> : vector<16xf32>
    %reduce_sum3A_174 = vector.multi_reduction <add>, %slice3A_168, %reduce_sum3A_173 [0] : vector<128x16xf32> to vector<16xf32>
    %broadcast_in_dim3A_175 = vector.shape_cast %reduce_sum3A_174 : vector<16xf32> to vector<1x16xf32>
    %add3A_176 = arith.addf %add3A_167, %broadcast_in_dim3A_175 : vector<1x16xf32>
    %concatenate3A = tpu.concatenate %add3A_37, %add3A_46, %add3A_55, %add3A_64, %add3A_73, %add3A_82, %add3A_91, %add3A_100, %add3A_109, %add3A_118, %add3A_127, %add3A_136, %add3A_145, %add3A_154, %add3A_163, %add3A_172 in 0 : vector<128x16xf32>, vector<128x16xf32>, vector<128x16xf32>, vector<128x16xf32>, vector<128x16xf32>, vector<128x16xf32>, vector<128x16xf32>, vector<128x16xf32>, vector<128x16xf32>, vector<128x16xf32>, vector<128x16xf32>, vector<128x16xf32>, vector<128x16xf32>, vector<128x16xf32>, vector<128x16xf32>, vector<128x16xf32> -> vector<2048x16xf32>
    %sub3A_177 = arith.constant 1.000000e+00 : f32
    %sub3A_178 = vector.broadcast %sub3A_177 : f32 to vector<2048x16xf32>
    %sub3A_179 = arith.subf %concatenate3A, %sub3A_178 : vector<2048x16xf32>
    %mul3A = arith.mulf %convert_element_type3A_27, %sub3A_179 : vector<2048x16xf32>
    %reduce_sum3A_180 = arith.constant dense<0.000000e+00> : vector<2048xf32>
    %reduce_sum3A_181 = vector.multi_reduction <add>, %mul3A, %reduce_sum3A_180 [1] : vector<2048x16xf32> to vector<2048xf32>
    %broadcast_in_dim3A_182 = vector.shape_cast %reduce_sum3A_181 : vector<2048xf32> to vector<2048x1xf32>
    %convert_element_type3A_183 = arith.fptosi %add3A_176 : vector<1x16xf32> to vector<1x16xi32>
    %add3A_184 = arith.constant 255 : i32
    %add3A_185 = vector.broadcast %add3A_184 : i32 to vector<1x16xi32>
    %add3A_186 = arith.addi %convert_element_type3A_183, %add3A_185 : vector<1x16xi32>
    %shift_right_arithmetic3A = arith.constant 8 : i32
    %shift_right_arithmetic3A_187 = vector.broadcast %shift_right_arithmetic3A : i32 to vector<1x16xi32>
    %shift_right_arithmetic3A_188 = arith.shrsi %add3A_186, %shift_right_arithmetic3A_187 : vector<1x16xi32>
    %shift_left3A = arith.constant 8 : i32
    %shift_left3A_189 = vector.broadcast %shift_left3A : i32 to vector<1x16xi32>
    %shift_left3A_190 = arith.shli %shift_right_arithmetic3A_188, %shift_left3A_189 : vector<1x16xi32>
    %iota3A_191 = tpu.iota {dimensions = array<i32: 0>} : vector<16x16xi32>
    %iota3A_192 = tpu.iota {dimensions = array<i32: 1>} : vector<16x16xi32>
    %lt3A = arith.cmpi slt, %iota3A_191, %iota3A_192 : vector<16x16xi32>
    %convert_element_type3A_193 = arith.extui %lt3A : vector<16x16xi1> to vector<16x16xi32>
    %convert_element_type3A_194 = arith.sitofp %convert_element_type3A_193 : vector<16x16xi32> to vector<16x16xf32>
    %convert_element_type3A_195 = arith.sitofp %shift_left3A_190 : vector<1x16xi32> to vector<1x16xf32>
    %dot_general3A_196 = arith.constant dense<0.000000e+00> : vector<1x16xf32>
    %dot_general3A_197 = tpu.matmul %convert_element_type3A_195, %convert_element_type3A_194, %dot_general3A_196 {dimension_numbers = #tpu.dot_dimension_numbers<[1], [0], [0], [1], [0, 0, 1, 1], [], []>, transpose_lhs_hint = false} : vector<1x16xf32>, vector<16x16xf32>, vector<1x16xf32> -> vector<1x16xf32>
    %mul3A_198 = vector.broadcast %dot_general3A_197 : vector<1x16xf32> to vector<2048x16xf32>
    %mul3A_199 = arith.mulf %convert_element_type3A_27, %mul3A_198 : vector<2048x16xf32>
    %reduce_sum3A_200 = arith.constant dense<0.000000e+00> : vector<2048xf32>
    %reduce_sum3A_201 = vector.multi_reduction <add>, %mul3A_199, %reduce_sum3A_200 [1] : vector<2048x16xf32> to vector<2048xf32>
    %broadcast_in_dim3A_202 = vector.shape_cast %reduce_sum3A_201 : vector<2048xf32> to vector<2048x1xf32>
    %add3A_203 = arith.addf %broadcast_in_dim3A_202, %broadcast_in_dim3A_182 : vector<2048x1xf32>
    %convert_element_type3A_204 = arith.fptosi %add3A_203 : vector<2048x1xf32> to vector<2048x1xi32>
    %reshape3A = vector.shape_cast %convert_element_type3A_204 : vector<2048x1xi32> to vector<2048xi32>
    %swap3A_205 = arith.constant 0 : index
    %swap3A_206 = vector.load %arg4[%swap3A_205] : memref<2048xi32, #tpu.memory_space<vmem>>, vector<2048xi32>
    tpu.vector_store %arg4[%swap3A_205], %reshape3A {strides = array<i32>} : memref<2048xi32, #tpu.memory_space<vmem>>, vector<2048xi32>,
    %iota3A_207 = tpu.iota {dimensions = array<i32: 0>} : vector<24x1xi32>
    %convert_element_type3A_208 = arith.sitofp %iota3A_207 : vector<24x1xi32> to vector<24x1xf32>
    %mul3A_209 = arith.constant 2.560000e+02 : f32
    %mul3A_210 = vector.broadcast %mul3A_209 : f32 to vector<24x1xf32>
    %mul3A_211 = arith.mulf %convert_element_type3A_208, %mul3A_210 : vector<24x1xf32>
    %le3A_212 = vector.broadcast %dot_general3A_197 : vector<1x16xf32> to vector<24x16xf32>
    %le3A_213 = vector.broadcast %mul3A_211 : vector<24x1xf32> to vector<24x16xf32>
    %le3A_214 = arith.cmpf ole, %le3A_212, %le3A_213 : vector<24x16xf32>
    %convert_element_type3A_215 = arith.extui %le3A_214 : vector<24x16xi1> to vector<24x16xi32>
    %convert_element_type3A_216 = arith.sitofp %convert_element_type3A_215 : vector<24x16xi32> to vector<24x16xf32>
    %reduce_sum3A_217 = arith.constant dense<0.000000e+00> : vector<24xf32>
    %reduce_sum3A_218 = vector.multi_reduction <add>, %convert_element_type3A_216, %reduce_sum3A_217 [1] : vector<24x16xf32> to vector<24xf32>
    %broadcast_in_dim3A_219 = vector.shape_cast %reduce_sum3A_218 : vector<24xf32> to vector<24x1xf32>
    %sub3A_220 = arith.constant 1.000000e+00 : f32
    %sub3A_221 = vector.broadcast %sub3A_220 : f32 to vector<24x1xf32>
    %sub3A_222 = arith.subf %broadcast_in_dim3A_219, %sub3A_221 : vector<24x1xf32>
    %broadcast_in_dim3A_223 = arith.constant -1.000000e+00 : f32
    %broadcast_in_dim3A_224 = vector.broadcast %broadcast_in_dim3A_223 : f32 to vector<1x1xf32>
    %slice3A_225 = vector.extract_strided_slice %sub3A_222 {offsets = [0, 0], sizes = [23, 1], strides = [1, 1]} : vector<24x1xf32> to vector<23x1xf32>
    %concatenate3A_226 = tpu.concatenate %broadcast_in_dim3A_224, %slice3A_225 in 0 : vector<1x1xf32>, vector<23x1xf32> -> vector<24x1xf32>
    %ne3A = arith.cmpf one, %sub3A_222, %concatenate3A_226 : vector<24x1xf32>
    %convert_element_type3A_227 = arith.extui %ne3A : vector<24x1xi1> to vector<24x1xi32>
    %convert_element_type3A_228 = arith.sitofp %convert_element_type3A_227 : vector<24x1xi32> to vector<24x1xf32>
    %iota3A_229 = tpu.iota {dimensions = array<i32: 0>} : vector<24x24xi32>
    %iota3A_230 = tpu.iota {dimensions = array<i32: 1>} : vector<24x24xi32>
    %le3A_231 = arith.cmpi sle, %iota3A_230, %iota3A_229 : vector<24x24xi32>
    %convert_element_type3A_232 = arith.extui %le3A_231 : vector<24x24xi1> to vector<24x24xi32>
    %convert_element_type3A_233 = arith.sitofp %convert_element_type3A_232 : vector<24x24xi32> to vector<24x24xf32>
    %dot_general3A_234 = arith.constant dense<0.000000e+00> : vector<24x1xf32>
    %dot_general3A_235 = tpu.matmul %convert_element_type3A_233, %convert_element_type3A_228, %dot_general3A_234 {dimension_numbers = #tpu.dot_dimension_numbers<[1], [0], [0], [1], [0, 0, 1, 1], [], []>, transpose_lhs_hint = false} : vector<24x24xf32>, vector<24x1xf32>, vector<24x1xf32> -> vector<24x1xf32>
    %sub3A_236 = arith.constant 1.000000e+00 : f32
    %sub3A_237 = vector.broadcast %sub3A_236 : f32 to vector<24x1xf32>
    %sub3A_238 = arith.subf %dot_general3A_235, %sub3A_237 : vector<24x1xf32>
    %mul3A_239 = arith.constant 0.333333343 : f32
    %mul3A_240 = vector.broadcast %mul3A_239 : f32 to vector<24x1xf32>
    %mul3A_241 = arith.mulf %sub3A_238, %mul3A_240 : vector<24x1xf32>
    %add3A_242 = arith.constant 9.99999997E-7 : f32
    %add3A_243 = vector.broadcast %add3A_242 : f32 to vector<24x1xf32>
    %add3A_244 = arith.addf %mul3A_241, %add3A_243 : vector<24x1xf32>
    %floor3A = math.floor %add3A_244 : vector<24x1xf32>
    %mul3A_245 = arith.constant 3.000000e+00 : f32
    %mul3A_246 = vector.broadcast %mul3A_245 : f32 to vector<24x1xf32>
    %mul3A_247 = arith.mulf %mul3A_246, %floor3A : vector<24x1xf32>
    %sub3A_248 = arith.subf %sub3A_238, %mul3A_247 : vector<24x1xf32>
    %convert_element_type3A_249 = arith.sitofp %iota3A_230 : vector<24x24xi32> to vector<24x24xf32>
    %eq3A_250 = arith.cmpi eq, %iota3A_229, %iota3A_230 : vector<24x24xi32>
    %convert_element_type3A_251 = arith.extui %eq3A_250 : vector<24x24xi1> to vector<24x24xi32>
    %convert_element_type3A_252 = arith.sitofp %convert_element_type3A_251 : vector<24x24xi32> to vector<24x24xf32>
    %dot_general3A_253 = arith.constant dense<0.000000e+00> : vector<1x24xf32>
    %dot_general3A_254 = tpu.matmul %convert_element_type3A_228, %convert_element_type3A_252, %dot_general3A_253 {dimension_numbers = #tpu.dot_dimension_numbers<[0], [0], [1], [1], [0, 1, 1, 1], [], []>, transpose_lhs_hint = false} : vector<24x1xf32>, vector<24x24xf32>, vector<1x24xf32> -> vector<1x24xf32>
    %gt3A = arith.cmpi sgt, %iota3A_230, %iota3A_229 : vector<24x24xi32>
    %gt3A_255 = arith.constant 5.000000e-01 : f32
    %gt3A_256 = vector.broadcast %gt3A_255 : f32 to vector<1x24xf32>
    %gt3A_257 = arith.cmpf ogt, %dot_general3A_254, %gt3A_256 : vector<1x24xf32>
    %and3A = vector.broadcast %gt3A_257 : vector<1x24xi1> to vector<24x24xi1>
    %and3A_258 = arith.andi %gt3A, %and3A : vector<24x24xi1>
    %jit3A_259 = arith.constant 2.400000e+01 : f32
    %broadcast_in_dim3A_260 = vector.broadcast %jit3A_259 : f32 to vector<24x24xf32>
    %select_n3A_261 = arith.select %and3A_258, %convert_element_type3A_249, %broadcast_in_dim3A_260 : vector<24x24xi1>, vector<24x24xf32>
    %reduce_min3A_262 = arith.constant dense<0x7F800000> : vector<24xf32>
    %reduce_min3A_263 = vector.multi_reduction <minimumf>, %select_n3A_261, %reduce_min3A_262 [1] : vector<24x24xf32> to vector<24xf32>
    %broadcast_in_dim3A_264 = vector.shape_cast %reduce_min3A_263 : vector<24xf32> to vector<24x1xf32>
    %lt3A_265 = arith.constant 2.400000e+01 : f32
    %lt3A_266 = vector.broadcast %lt3A_265 : f32 to vector<24x1xf32>
    %lt3A_267 = arith.cmpf olt, %broadcast_in_dim3A_264, %lt3A_266 : vector<24x1xf32>
    %convert_element_type3A_268 = arith.extui %lt3A_267 : vector<24x1xi1> to vector<24x1xi32>
    %convert_element_type3A_269 = arith.sitofp %convert_element_type3A_268 : vector<24x1xi32> to vector<24x1xf32>
    %eq3A_270 = vector.broadcast %broadcast_in_dim3A_264 : vector<24x1xf32> to vector<24x24xf32>
    %eq3A_271 = arith.cmpf oeq, %convert_element_type3A_249, %eq3A_270 : vector<24x24xf32>
    %convert_element_type3A_272 = arith.extui %eq3A_271 : vector<24x24xi1> to vector<24x24xi32>
    %convert_element_type3A_273 = arith.sitofp %convert_element_type3A_272 : vector<24x24xi32> to vector<24x24xf32>
    %dot_general3A_274 = arith.constant dense<0.000000e+00> : vector<24x1xf32>
    %dot_general3A_275 = tpu.matmul %convert_element_type3A_273, %sub3A_222, %dot_general3A_274 {dimension_numbers = #tpu.dot_dimension_numbers<[1], [0], [0], [1], [0, 0, 1, 1], [], []>, transpose_lhs_hint = false} : vector<24x24xf32>, vector<24x1xf32>, vector<24x1xf32> -> vector<24x1xf32>
    %dot_general3A_276 = arith.constant dense<0.000000e+00> : vector<24x1xf32>
    %dot_general3A_277 = tpu.matmul %convert_element_type3A_273, %broadcast_in_dim3A_264, %dot_general3A_276 {dimension_numbers = #tpu.dot_dimension_numbers<[1], [0], [0], [1], [0, 0, 1, 1], [], []>, transpose_lhs_hint = false} : vector<24x24xf32>, vector<24x1xf32>, vector<24x1xf32> -> vector<24x1xf32>
    %dot_general3A_278 = arith.constant dense<0.000000e+00> : vector<24x1xf32>
    %dot_general3A_279 = tpu.matmul %convert_element_type3A_273, %convert_element_type3A_269, %dot_general3A_278 {dimension_numbers = #tpu.dot_dimension_numbers<[1], [0], [0], [1], [0, 0, 1, 1], [], []>, transpose_lhs_hint = false} : vector<24x24xf32>, vector<24x1xf32>, vector<24x1xf32> -> vector<24x1xf32>
    %eq3A_280 = vector.broadcast %dot_general3A_277 : vector<24x1xf32> to vector<24x24xf32>
    %eq3A_281 = arith.cmpf oeq, %convert_element_type3A_249, %eq3A_280 : vector<24x24xf32>
    %convert_element_type3A_282 = arith.extui %eq3A_281 : vector<24x24xi1> to vector<24x24xi32>
    %convert_element_type3A_283 = arith.sitofp %convert_element_type3A_282 : vector<24x24xi32> to vector<24x24xf32>
    %dot_general3A_284 = arith.constant dense<0.000000e+00> : vector<24x1xf32>
    %dot_general3A_285 = tpu.matmul %convert_element_type3A_283, %sub3A_222, %dot_general3A_284 {dimension_numbers = #tpu.dot_dimension_numbers<[1], [0], [0], [1], [0, 0, 1, 1], [], []>, transpose_lhs_hint = false} : vector<24x24xf32>, vector<24x1xf32>, vector<24x1xf32> -> vector<24x1xf32>
    %convert_element_type3A_286 = arith.sitofp %shift_left3A_190 : vector<1x16xi32> to vector<1x16xf32>
    %reduce_sum3A_287 = arith.constant dense<0.000000e+00> : vector<1xf32>
    %reduce_sum3A_288 = vector.multi_reduction <add>, %convert_element_type3A_286, %reduce_sum3A_287 [1] : vector<1x16xf32> to vector<1xf32>
    %broadcast_in_dim3A_289 = vector.shape_cast %reduce_sum3A_288 : vector<1xf32> to vector<1x1xf32>
    %lt3A_290 = vector.broadcast %broadcast_in_dim3A_289 : vector<1x1xf32> to vector<24x1xf32>
    %lt3A_291 = arith.cmpf olt, %mul3A_211, %lt3A_290 : vector<24x1xf32>
    %convert_element_type3A_292 = arith.extui %lt3A_291 : vector<24x1xi1> to vector<24x1xi32>
    %convert_element_type3A_293 = arith.sitofp %convert_element_type3A_292 : vector<24x1xi32> to vector<24x1xf32>
    %concatenate3A_294 = tpu.concatenate %sub3A_222, %convert_element_type3A_228, %sub3A_248, %dot_general3A_275, %convert_element_type3A_269, %dot_general3A_285, %dot_general3A_279, %convert_element_type3A_293 in 1 : vector<24x1xf32>, vector<24x1xf32>, vector<24x1xf32>, vector<24x1xf32>, vector<24x1xf32>, vector<24x1xf32>, vector<24x1xf32>, vector<24x1xf32> -> vector<24x8xf32>
    %convert_element_type3A_295 = arith.fptosi %concatenate3A_294 : vector<24x8xf32> to vector<24x8xi32>
    %swap3A_296 = arith.constant 0 : index
    %swap3A_297 = arith.constant 0 : index
    %swap3A_298 = vector.load %arg5[%swap3A_296, %swap3A_297] : memref<24x8xi32, #tpu.memory_space<vmem>>, vector<24x8xi32>
    tpu.vector_store %arg5[%swap3A_296, %swap3A_297], %convert_element_type3A_295 {strides = array<i32>} : memref<24x8xi32, #tpu.memory_space<vmem>>, vector<24x8xi32>,
    return
  }
}

module attributes {stable_mosaic.version = 14 : i64} {
  func.func @_ffn_body(%arg0: i32, %arg1: memref<24x8xi32, #tpu.memory_space<smem>>, %arg2: memref<6144x768xf32, #tpu.memory_space<any>>, %arg3: memref<16x768x768xf32, #tpu.memory_space<any>>, %arg4: memref<16x768xf32, #tpu.memory_space<any>>, %arg5: memref<16x768x768xf32, #tpu.memory_space<any>>, %arg6: memref<16x768xf32, #tpu.memory_space<any>>, %arg7: memref<6144x768xf32, #tpu.memory_space<any>>, %arg8: memref<3x768x768xf32, #tpu.memory_space<vmem>>, %arg9: memref<3x768x768xf32, #tpu.memory_space<vmem>>, %arg10: memref<!tpu.dma_semaphore, #tpu.memory_space<semaphore_mem>>, %arg11: memref<!tpu.dma_semaphore, #tpu.memory_space<semaphore_mem>>, %arg12: memref<!tpu.dma_semaphore, #tpu.memory_space<semaphore_mem>>, %arg13: memref<3x256x768xf32, #tpu.memory_space<vmem>>, %arg14: memref<3x256x768xf32, #tpu.memory_space<vmem>>, %arg15: memref<16x768xf32, #tpu.memory_space<vmem>>, %arg16: memref<16x768xf32, #tpu.memory_space<vmem>>, %arg17: memref<!tpu.dma_semaphore, #tpu.memory_space<semaphore_mem>>, %arg18: memref<!tpu.dma_semaphore, #tpu.memory_space<semaphore_mem>>, %arg19: memref<!tpu.dma_semaphore, #tpu.memory_space<semaphore_mem>>, %arg20: memref<!tpu.dma_semaphore, #tpu.memory_space<semaphore_mem>>, %arg21: memref<!tpu.dma_semaphore, #tpu.memory_space<semaphore_mem>>, %arg22: memref<!tpu.dma_semaphore, #tpu.memory_space<semaphore_mem>>, %arg23: memref<!tpu.dma_semaphore, #tpu.memory_space<semaphore_mem>>) attributes {dimension_semantics = [#tpu.dimension_semantics<arbitrary>], iteration_bounds = array<i64: 24>, scalar_prefetch = 1 : i64, scratch_operands = 16 : i64, tpu.core_type = #tpu.core_type<tc>, window_params = [{}, {}, {}, {}, {}, {}]} {
    %get3A = arith.index_cast %arg0 : i32 to index
    %get3A_0 = arith.constant 0 : index
    %get3A_1 = memref.load %arg1[%get3A, %get3A_0] : memref<24x8xi32, #tpu.memory_space<smem>>
    %get3A_2 = arith.index_cast %arg0 : i32 to index
    %get3A_3 = arith.constant 1 : index
    %get3A_4 = memref.load %arg1[%get3A_2, %get3A_3] : memref<24x8xi32, #tpu.memory_space<smem>>
    %get3A_5 = arith.index_cast %arg0 : i32 to index
    %get3A_6 = arith.constant 2 : index
    %get3A_7 = memref.load %arg1[%get3A_5, %get3A_6] : memref<24x8xi32, #tpu.memory_space<smem>>
    %get3A_8 = arith.index_cast %arg0 : i32 to index
    %get3A_9 = arith.constant 3 : index
    %get3A_10 = memref.load %arg1[%get3A_8, %get3A_9] : memref<24x8xi32, #tpu.memory_space<smem>>
    %get3A_11 = arith.index_cast %arg0 : i32 to index
    %get3A_12 = arith.constant 4 : index
    %get3A_13 = memref.load %arg1[%get3A_11, %get3A_12] : memref<24x8xi32, #tpu.memory_space<smem>>
    %get3A_14 = arith.index_cast %arg0 : i32 to index
    %get3A_15 = arith.constant 5 : index
    %get3A_16 = memref.load %arg1[%get3A_14, %get3A_15] : memref<24x8xi32, #tpu.memory_space<smem>>
    %get3A_17 = arith.index_cast %arg0 : i32 to index
    %get3A_18 = arith.constant 6 : index
    %get3A_19 = memref.load %arg1[%get3A_17, %get3A_18] : memref<24x8xi32, #tpu.memory_space<smem>>
    %eq3A = arith.constant 0 : i32
    %eq3A_20 = arith.cmpi eq, %arg0, %eq3A : i32
    %convert_element_type3A = arith.extui %eq3A_20 : i1 to i32
    %cond3A = arith.constant 0 : i32
    %cond3A_21 = arith.cmpi ne, %convert_element_type3A, %cond3A : i32
    scf.if %cond3A_21 {
      %dma_start3A = arith.constant 0 : i32
      %dma_start3A_164 = arith.constant 0 : i32
      %dma_start3A_165 = arith.constant 0 : i32
      %dma_start3A_166 = tpu.memref_slice %arg13[%dma_start3A, %dma_start3A_164, %dma_start3A_165] : memref<3x256x768xf32, #tpu.memory_space<vmem>> -> memref<1x256x768xf32, #tpu.memory_space<vmem>>
      %dma_start3A_167 = tpu.memref_squeeze %dma_start3A_166 : memref<1x256x768xf32, #tpu.memory_space<vmem>> -> memref<256x768xf32, #tpu.memory_space<vmem>>
      %dma_start3A_168 = arith.constant 0 : i32
      %dma_start3A_169 = arith.constant 0 : i32
      %dma_start3A_170 = tpu.memref_slice %arg2[%dma_start3A_168, %dma_start3A_169] : memref<6144x768xf32, #tpu.memory_space<any>> -> memref<256x768xf32, #tpu.memory_space<any>>
      tpu.enqueue_dma source(%dma_start3A_170 : memref<256x768xf32, #tpu.memory_space<any>>) target(%dma_start3A_167 : memref<256x768xf32, #tpu.memory_space<vmem>>) target_semaphore(%arg17 : memref<!tpu.dma_semaphore, #tpu.memory_space<semaphore_mem>>)
      %dma_start3A_171 = arith.constant 1 : i32
      %dma_start3A_172 = arith.constant 0 : i32
      %dma_start3A_173 = arith.constant 0 : i32
      %dma_start3A_174 = tpu.memref_slice %arg13[%dma_start3A_171, %dma_start3A_172, %dma_start3A_173] : memref<3x256x768xf32, #tpu.memory_space<vmem>> -> memref<1x256x768xf32, #tpu.memory_space<vmem>>
      %dma_start3A_175 = tpu.memref_squeeze %dma_start3A_174 : memref<1x256x768xf32, #tpu.memory_space<vmem>> -> memref<256x768xf32, #tpu.memory_space<vmem>>
      %dma_start3A_176 = arith.constant 256 : i32
      %dma_start3A_177 = arith.constant 0 : i32
      %dma_start3A_178 = tpu.memref_slice %arg2[%dma_start3A_176, %dma_start3A_177] : memref<6144x768xf32, #tpu.memory_space<any>> -> memref<256x768xf32, #tpu.memory_space<any>>
      tpu.enqueue_dma source(%dma_start3A_178 : memref<256x768xf32, #tpu.memory_space<any>>) target(%dma_start3A_175 : memref<256x768xf32, #tpu.memory_space<vmem>>) target_semaphore(%arg18 : memref<!tpu.dma_semaphore, #tpu.memory_space<semaphore_mem>>)
      tpu.enqueue_dma source(%arg4 : memref<16x768xf32, #tpu.memory_space<any>>) target(%arg15 : memref<16x768xf32, #tpu.memory_space<vmem>>) target_semaphore(%arg23 : memref<!tpu.dma_semaphore, #tpu.memory_space<semaphore_mem>>)
      tpu.enqueue_dma source(%arg6 : memref<16x768xf32, #tpu.memory_space<any>>) target(%arg16 : memref<16x768xf32, #tpu.memory_space<vmem>>) target_semaphore(%arg23 : memref<!tpu.dma_semaphore, #tpu.memory_space<semaphore_mem>>)
      tpu.wait_dma2 semaphore(%arg23 : memref<!tpu.dma_semaphore, #tpu.memory_space<semaphore_mem>>) src(%arg4 : memref<16x768xf32, #tpu.memory_space<any>>) dst(%arg15 : memref<16x768xf32, #tpu.memory_space<vmem>>)
      tpu.wait_dma2 semaphore(%arg23 : memref<!tpu.dma_semaphore, #tpu.memory_space<semaphore_mem>>) src(%arg6 : memref<16x768xf32, #tpu.memory_space<any>>) dst(%arg16 : memref<16x768xf32, #tpu.memory_space<vmem>>)
    } else {
    }
    %lt3A = arith.constant 22 : i32
    %lt3A_22 = arith.cmpi slt, %arg0, %lt3A : i32
    %convert_element_type3A_23 = arith.extui %lt3A_22 : i1 to i32
    %cond3A_24 = arith.constant 0 : i32
    %cond3A_25 = arith.cmpi ne, %convert_element_type3A_23, %cond3A_24 : i32
    scf.if %cond3A_25 {
      %add3A = arith.constant 2 : i32
      %add3A_164 = arith.addi %arg0, %add3A : i32
      %rem3A_165 = arith.constant 3 : i32
      %rem3A_166 = arith.remsi %add3A_164, %rem3A_165 : i32
      %eq3A_167 = arith.constant 0 : i32
      %eq3A_168 = arith.cmpi eq, %rem3A_166, %eq3A_167 : i32
      %add3A_169 = arith.constant 2 : i32
      %add3A_170 = arith.addi %arg0, %add3A_169 : i32
      %get3A_171 = arith.index_cast %add3A_170 : i32 to index
      %get3A_172 = arith.constant 7 : index
      %get3A_173 = memref.load %arg1[%get3A_171, %get3A_172] : memref<24x8xi32, #tpu.memory_space<smem>>
      %eq3A_174 = arith.constant 1 : i32
      %eq3A_175 = arith.cmpi eq, %get3A_173, %eq3A_174 : i32
      %and3A_176 = arith.andi %eq3A_168, %eq3A_175 : i1
      %convert_element_type3A_177 = arith.extui %and3A_176 : i1 to i32
      %cond3A_178 = arith.constant 0 : i32
      %cond3A_179 = arith.cmpi ne, %convert_element_type3A_177, %cond3A_178 : i32
      scf.if %cond3A_179 {
        %add3A_214 = arith.constant 2 : i32
        %add3A_215 = arith.addi %arg0, %add3A_214 : i32
        %mul3A = arith.constant 256 : i32
        %mul3A_216 = arith.muli %add3A_215, %mul3A : i32
        %dma_start3A = arith.constant 0 : i32
        %dma_start3A_217 = arith.constant 0 : i32
        %dma_start3A_218 = arith.constant 0 : i32
        %dma_start3A_219 = tpu.memref_slice %arg13[%dma_start3A, %dma_start3A_217, %dma_start3A_218] : memref<3x256x768xf32, #tpu.memory_space<vmem>> -> memref<1x256x768xf32, #tpu.memory_space<vmem>>
        %dma_start3A_220 = tpu.memref_squeeze %dma_start3A_219 : memref<1x256x768xf32, #tpu.memory_space<vmem>> -> memref<256x768xf32, #tpu.memory_space<vmem>>
        %dma_start3A_221 = arith.constant 0 : i32
        %dma_start3A_222 = tpu.memref_slice %arg2[%mul3A_216, %dma_start3A_221] : memref<6144x768xf32, #tpu.memory_space<any>> -> memref<256x768xf32, #tpu.memory_space<any>>
        tpu.enqueue_dma source(%dma_start3A_222 : memref<256x768xf32, #tpu.memory_space<any>>) target(%dma_start3A_220 : memref<256x768xf32, #tpu.memory_space<vmem>>) target_semaphore(%arg17 : memref<!tpu.dma_semaphore, #tpu.memory_space<semaphore_mem>>)
      } else {
      }
      %add3A_180 = arith.constant 2 : i32
      %add3A_181 = arith.addi %arg0, %add3A_180 : i32
      %rem3A_182 = arith.constant 3 : i32
      %rem3A_183 = arith.remsi %add3A_181, %rem3A_182 : i32
      %eq3A_184 = arith.constant 1 : i32
      %eq3A_185 = arith.cmpi eq, %rem3A_183, %eq3A_184 : i32
      %add3A_186 = arith.constant 2 : i32
      %add3A_187 = arith.addi %arg0, %add3A_186 : i32
      %get3A_188 = arith.index_cast %add3A_187 : i32 to index
      %get3A_189 = arith.constant 7 : index
      %get3A_190 = memref.load %arg1[%get3A_188, %get3A_189] : memref<24x8xi32, #tpu.memory_space<smem>>
      %eq3A_191 = arith.constant 1 : i32
      %eq3A_192 = arith.cmpi eq, %get3A_190, %eq3A_191 : i32
      %and3A_193 = arith.andi %eq3A_185, %eq3A_192 : i1
      %convert_element_type3A_194 = arith.extui %and3A_193 : i1 to i32
      %cond3A_195 = arith.constant 0 : i32
      %cond3A_196 = arith.cmpi ne, %convert_element_type3A_194, %cond3A_195 : i32
      scf.if %cond3A_196 {
        %add3A_214 = arith.constant 2 : i32
        %add3A_215 = arith.addi %arg0, %add3A_214 : i32
        %mul3A = arith.constant 256 : i32
        %mul3A_216 = arith.muli %add3A_215, %mul3A : i32
        %dma_start3A = arith.constant 1 : i32
        %dma_start3A_217 = arith.constant 0 : i32
        %dma_start3A_218 = arith.constant 0 : i32
        %dma_start3A_219 = tpu.memref_slice %arg13[%dma_start3A, %dma_start3A_217, %dma_start3A_218] : memref<3x256x768xf32, #tpu.memory_space<vmem>> -> memref<1x256x768xf32, #tpu.memory_space<vmem>>
        %dma_start3A_220 = tpu.memref_squeeze %dma_start3A_219 : memref<1x256x768xf32, #tpu.memory_space<vmem>> -> memref<256x768xf32, #tpu.memory_space<vmem>>
        %dma_start3A_221 = arith.constant 0 : i32
        %dma_start3A_222 = tpu.memref_slice %arg2[%mul3A_216, %dma_start3A_221] : memref<6144x768xf32, #tpu.memory_space<any>> -> memref<256x768xf32, #tpu.memory_space<any>>
        tpu.enqueue_dma source(%dma_start3A_222 : memref<256x768xf32, #tpu.memory_space<any>>) target(%dma_start3A_220 : memref<256x768xf32, #tpu.memory_space<vmem>>) target_semaphore(%arg18 : memref<!tpu.dma_semaphore, #tpu.memory_space<semaphore_mem>>)
      } else {
      }
      %add3A_197 = arith.constant 2 : i32
      %add3A_198 = arith.addi %arg0, %add3A_197 : i32
      %rem3A_199 = arith.constant 3 : i32
      %rem3A_200 = arith.remsi %add3A_198, %rem3A_199 : i32
      %eq3A_201 = arith.constant 2 : i32
      %eq3A_202 = arith.cmpi eq, %rem3A_200, %eq3A_201 : i32
      %add3A_203 = arith.constant 2 : i32
      %add3A_204 = arith.addi %arg0, %add3A_203 : i32
      %get3A_205 = arith.index_cast %add3A_204 : i32 to index
      %get3A_206 = arith.constant 7 : index
      %get3A_207 = memref.load %arg1[%get3A_205, %get3A_206] : memref<24x8xi32, #tpu.memory_space<smem>>
      %eq3A_208 = arith.constant 1 : i32
      %eq3A_209 = arith.cmpi eq, %get3A_207, %eq3A_208 : i32
      %and3A_210 = arith.andi %eq3A_202, %eq3A_209 : i1
      %convert_element_type3A_211 = arith.extui %and3A_210 : i1 to i32
      %cond3A_212 = arith.constant 0 : i32
      %cond3A_213 = arith.cmpi ne, %convert_element_type3A_211, %cond3A_212 : i32
      scf.if %cond3A_213 {
        %add3A_214 = arith.constant 2 : i32
        %add3A_215 = arith.addi %arg0, %add3A_214 : i32
        %mul3A = arith.constant 256 : i32
        %mul3A_216 = arith.muli %add3A_215, %mul3A : i32
        %dma_start3A = arith.constant 2 : i32
        %dma_start3A_217 = arith.constant 0 : i32
        %dma_start3A_218 = arith.constant 0 : i32
        %dma_start3A_219 = tpu.memref_slice %arg13[%dma_start3A, %dma_start3A_217, %dma_start3A_218] : memref<3x256x768xf32, #tpu.memory_space<vmem>> -> memref<1x256x768xf32, #tpu.memory_space<vmem>>
        %dma_start3A_220 = tpu.memref_squeeze %dma_start3A_219 : memref<1x256x768xf32, #tpu.memory_space<vmem>> -> memref<256x768xf32, #tpu.memory_space<vmem>>
        %dma_start3A_221 = arith.constant 0 : i32
        %dma_start3A_222 = tpu.memref_slice %arg2[%mul3A_216, %dma_start3A_221] : memref<6144x768xf32, #tpu.memory_space<any>> -> memref<256x768xf32, #tpu.memory_space<any>>
        tpu.enqueue_dma source(%dma_start3A_222 : memref<256x768xf32, #tpu.memory_space<any>>) target(%dma_start3A_220 : memref<256x768xf32, #tpu.memory_space<vmem>>) target_semaphore(%arg19 : memref<!tpu.dma_semaphore, #tpu.memory_space<semaphore_mem>>)
      } else {
      }
    } else {
    }
    %eq3A_26 = arith.constant 0 : i32
    %eq3A_27 = arith.cmpi eq, %arg0, %eq3A_26 : i32
    %convert_element_type3A_28 = arith.extui %eq3A_27 : i1 to i32
    %cond3A_29 = arith.constant 0 : i32
    %cond3A_30 = arith.cmpi ne, %convert_element_type3A_28, %cond3A_29 : i32
    scf.if %cond3A_30 {
      %dma_start3A = arith.constant 0 : i32
      %dma_start3A_164 = arith.constant 0 : i32
      %dma_start3A_165 = arith.constant 0 : i32
      %dma_start3A_166 = tpu.memref_slice %arg8[%dma_start3A, %dma_start3A_164, %dma_start3A_165] : memref<3x768x768xf32, #tpu.memory_space<vmem>> -> memref<1x384x768xf32, #tpu.memory_space<vmem>>
      %dma_start3A_167 = tpu.memref_squeeze %dma_start3A_166 : memref<1x384x768xf32, #tpu.memory_space<vmem>> -> memref<384x768xf32, #tpu.memory_space<vmem>>
      %dma_start3A_168 = arith.constant 0 : i32
      %dma_start3A_169 = arith.constant 0 : i32
      %dma_start3A_170 = tpu.memref_slice %arg3[%get3A_1, %dma_start3A_168, %dma_start3A_169] : memref<16x768x768xf32, #tpu.memory_space<any>> -> memref<1x384x768xf32, #tpu.memory_space<any>>
      %dma_start3A_171 = tpu.memref_squeeze %dma_start3A_170 : memref<1x384x768xf32, #tpu.memory_space<any>> -> memref<384x768xf32, #tpu.memory_space<any>>
      tpu.enqueue_dma source(%dma_start3A_171 : memref<384x768xf32, #tpu.memory_space<any>>) target(%dma_start3A_167 : memref<384x768xf32, #tpu.memory_space<vmem>>) target_semaphore(%arg10 : memref<!tpu.dma_semaphore, #tpu.memory_space<semaphore_mem>>)
      %dma_start3A_172 = arith.constant 0 : i32
      %dma_start3A_173 = arith.constant 384 : i32
      %dma_start3A_174 = arith.constant 0 : i32
      %dma_start3A_175 = tpu.memref_slice %arg8[%dma_start3A_172, %dma_start3A_173, %dma_start3A_174] : memref<3x768x768xf32, #tpu.memory_space<vmem>> -> memref<1x384x768xf32, #tpu.memory_space<vmem>>
      %dma_start3A_176 = tpu.memref_squeeze %dma_start3A_175 : memref<1x384x768xf32, #tpu.memory_space<vmem>> -> memref<384x768xf32, #tpu.memory_space<vmem>>
      %dma_start3A_177 = arith.constant 384 : i32
      %dma_start3A_178 = arith.constant 0 : i32
      %dma_start3A_179 = tpu.memref_slice %arg3[%get3A_1, %dma_start3A_177, %dma_start3A_178] : memref<16x768x768xf32, #tpu.memory_space<any>> -> memref<1x384x768xf32, #tpu.memory_space<any>>
      %dma_start3A_180 = tpu.memref_squeeze %dma_start3A_179 : memref<1x384x768xf32, #tpu.memory_space<any>> -> memref<384x768xf32, #tpu.memory_space<any>>
      tpu.enqueue_dma source(%dma_start3A_180 : memref<384x768xf32, #tpu.memory_space<any>>) target(%dma_start3A_176 : memref<384x768xf32, #tpu.memory_space<vmem>>) target_semaphore(%arg10 : memref<!tpu.dma_semaphore, #tpu.memory_space<semaphore_mem>>)
      %dma_start3A_181 = arith.constant 0 : i32
      %dma_start3A_182 = arith.constant 0 : i32
      %dma_start3A_183 = arith.constant 0 : i32
      %dma_start3A_184 = tpu.memref_slice %arg9[%dma_start3A_181, %dma_start3A_182, %dma_start3A_183] : memref<3x768x768xf32, #tpu.memory_space<vmem>> -> memref<1x384x768xf32, #tpu.memory_space<vmem>>
      %dma_start3A_185 = tpu.memref_squeeze %dma_start3A_184 : memref<1x384x768xf32, #tpu.memory_space<vmem>> -> memref<384x768xf32, #tpu.memory_space<vmem>>
      %dma_start3A_186 = arith.constant 0 : i32
      %dma_start3A_187 = arith.constant 0 : i32
      %dma_start3A_188 = tpu.memref_slice %arg5[%get3A_1, %dma_start3A_186, %dma_start3A_187] : memref<16x768x768xf32, #tpu.memory_space<any>> -> memref<1x384x768xf32, #tpu.memory_space<any>>
      %dma_start3A_189 = tpu.memref_squeeze %dma_start3A_188 : memref<1x384x768xf32, #tpu.memory_space<any>> -> memref<384x768xf32, #tpu.memory_space<any>>
      tpu.enqueue_dma source(%dma_start3A_189 : memref<384x768xf32, #tpu.memory_space<any>>) target(%dma_start3A_185 : memref<384x768xf32, #tpu.memory_space<vmem>>) target_semaphore(%arg10 : memref<!tpu.dma_semaphore, #tpu.memory_space<semaphore_mem>>)
      %dma_start3A_190 = arith.constant 0 : i32
      %dma_start3A_191 = arith.constant 384 : i32
      %dma_start3A_192 = arith.constant 0 : i32
      %dma_start3A_193 = tpu.memref_slice %arg9[%dma_start3A_190, %dma_start3A_191, %dma_start3A_192] : memref<3x768x768xf32, #tpu.memory_space<vmem>> -> memref<1x384x768xf32, #tpu.memory_space<vmem>>
      %dma_start3A_194 = tpu.memref_squeeze %dma_start3A_193 : memref<1x384x768xf32, #tpu.memory_space<vmem>> -> memref<384x768xf32, #tpu.memory_space<vmem>>
      %dma_start3A_195 = arith.constant 384 : i32
      %dma_start3A_196 = arith.constant 0 : i32
      %dma_start3A_197 = tpu.memref_slice %arg5[%get3A_1, %dma_start3A_195, %dma_start3A_196] : memref<16x768x768xf32, #tpu.memory_space<any>> -> memref<1x384x768xf32, #tpu.memory_space<any>>
      %dma_start3A_198 = tpu.memref_squeeze %dma_start3A_197 : memref<1x384x768xf32, #tpu.memory_space<any>> -> memref<384x768xf32, #tpu.memory_space<any>>
      tpu.enqueue_dma source(%dma_start3A_198 : memref<384x768xf32, #tpu.memory_space<any>>) target(%dma_start3A_194 : memref<384x768xf32, #tpu.memory_space<vmem>>) target_semaphore(%arg10 : memref<!tpu.dma_semaphore, #tpu.memory_space<semaphore_mem>>)
    } else {
    }
    %eq3A_31 = arith.constant 0 : i32
    %eq3A_32 = arith.cmpi eq, %arg0, %eq3A_31 : i32
    %eq3A_33 = arith.constant 1 : i32
    %eq3A_34 = arith.cmpi eq, %get3A_13, %eq3A_33 : i32
    %and3A = arith.andi %eq3A_32, %eq3A_34 : i1
    %convert_element_type3A_35 = arith.extui %and3A : i1 to i32
    %cond3A_36 = arith.constant 0 : i32
    %cond3A_37 = arith.cmpi ne, %convert_element_type3A_35, %cond3A_36 : i32
    scf.if %cond3A_37 {
      %dma_start3A = arith.constant 1 : i32
      %dma_start3A_164 = arith.constant 0 : i32
      %dma_start3A_165 = arith.constant 0 : i32
      %dma_start3A_166 = tpu.memref_slice %arg8[%dma_start3A, %dma_start3A_164, %dma_start3A_165] : memref<3x768x768xf32, #tpu.memory_space<vmem>> -> memref<1x384x768xf32, #tpu.memory_space<vmem>>
      %dma_start3A_167 = tpu.memref_squeeze %dma_start3A_166 : memref<1x384x768xf32, #tpu.memory_space<vmem>> -> memref<384x768xf32, #tpu.memory_space<vmem>>
      %dma_start3A_168 = arith.constant 0 : i32
      %dma_start3A_169 = arith.constant 0 : i32
      %dma_start3A_170 = tpu.memref_slice %arg3[%get3A_10, %dma_start3A_168, %dma_start3A_169] : memref<16x768x768xf32, #tpu.memory_space<any>> -> memref<1x384x768xf32, #tpu.memory_space<any>>
      %dma_start3A_171 = tpu.memref_squeeze %dma_start3A_170 : memref<1x384x768xf32, #tpu.memory_space<any>> -> memref<384x768xf32, #tpu.memory_space<any>>
      tpu.enqueue_dma source(%dma_start3A_171 : memref<384x768xf32, #tpu.memory_space<any>>) target(%dma_start3A_167 : memref<384x768xf32, #tpu.memory_space<vmem>>) target_semaphore(%arg11 : memref<!tpu.dma_semaphore, #tpu.memory_space<semaphore_mem>>)
      %dma_start3A_172 = arith.constant 1 : i32
      %dma_start3A_173 = arith.constant 384 : i32
      %dma_start3A_174 = arith.constant 0 : i32
      %dma_start3A_175 = tpu.memref_slice %arg8[%dma_start3A_172, %dma_start3A_173, %dma_start3A_174] : memref<3x768x768xf32, #tpu.memory_space<vmem>> -> memref<1x384x768xf32, #tpu.memory_space<vmem>>
      %dma_start3A_176 = tpu.memref_squeeze %dma_start3A_175 : memref<1x384x768xf32, #tpu.memory_space<vmem>> -> memref<384x768xf32, #tpu.memory_space<vmem>>
      %dma_start3A_177 = arith.constant 384 : i32
      %dma_start3A_178 = arith.constant 0 : i32
      %dma_start3A_179 = tpu.memref_slice %arg3[%get3A_10, %dma_start3A_177, %dma_start3A_178] : memref<16x768x768xf32, #tpu.memory_space<any>> -> memref<1x384x768xf32, #tpu.memory_space<any>>
      %dma_start3A_180 = tpu.memref_squeeze %dma_start3A_179 : memref<1x384x768xf32, #tpu.memory_space<any>> -> memref<384x768xf32, #tpu.memory_space<any>>
      tpu.enqueue_dma source(%dma_start3A_180 : memref<384x768xf32, #tpu.memory_space<any>>) target(%dma_start3A_176 : memref<384x768xf32, #tpu.memory_space<vmem>>) target_semaphore(%arg11 : memref<!tpu.dma_semaphore, #tpu.memory_space<semaphore_mem>>)
      %dma_start3A_181 = arith.constant 1 : i32
      %dma_start3A_182 = arith.constant 0 : i32
      %dma_start3A_183 = arith.constant 0 : i32
      %dma_start3A_184 = tpu.memref_slice %arg9[%dma_start3A_181, %dma_start3A_182, %dma_start3A_183] : memref<3x768x768xf32, #tpu.memory_space<vmem>> -> memref<1x384x768xf32, #tpu.memory_space<vmem>>
      %dma_start3A_185 = tpu.memref_squeeze %dma_start3A_184 : memref<1x384x768xf32, #tpu.memory_space<vmem>> -> memref<384x768xf32, #tpu.memory_space<vmem>>
      %dma_start3A_186 = arith.constant 0 : i32
      %dma_start3A_187 = arith.constant 0 : i32
      %dma_start3A_188 = tpu.memref_slice %arg5[%get3A_10, %dma_start3A_186, %dma_start3A_187] : memref<16x768x768xf32, #tpu.memory_space<any>> -> memref<1x384x768xf32, #tpu.memory_space<any>>
      %dma_start3A_189 = tpu.memref_squeeze %dma_start3A_188 : memref<1x384x768xf32, #tpu.memory_space<any>> -> memref<384x768xf32, #tpu.memory_space<any>>
      tpu.enqueue_dma source(%dma_start3A_189 : memref<384x768xf32, #tpu.memory_space<any>>) target(%dma_start3A_185 : memref<384x768xf32, #tpu.memory_space<vmem>>) target_semaphore(%arg11 : memref<!tpu.dma_semaphore, #tpu.memory_space<semaphore_mem>>)
      %dma_start3A_190 = arith.constant 1 : i32
      %dma_start3A_191 = arith.constant 384 : i32
      %dma_start3A_192 = arith.constant 0 : i32
      %dma_start3A_193 = tpu.memref_slice %arg9[%dma_start3A_190, %dma_start3A_191, %dma_start3A_192] : memref<3x768x768xf32, #tpu.memory_space<vmem>> -> memref<1x384x768xf32, #tpu.memory_space<vmem>>
      %dma_start3A_194 = tpu.memref_squeeze %dma_start3A_193 : memref<1x384x768xf32, #tpu.memory_space<vmem>> -> memref<384x768xf32, #tpu.memory_space<vmem>>
      %dma_start3A_195 = arith.constant 384 : i32
      %dma_start3A_196 = arith.constant 0 : i32
      %dma_start3A_197 = tpu.memref_slice %arg5[%get3A_10, %dma_start3A_195, %dma_start3A_196] : memref<16x768x768xf32, #tpu.memory_space<any>> -> memref<1x384x768xf32, #tpu.memory_space<any>>
      %dma_start3A_198 = tpu.memref_squeeze %dma_start3A_197 : memref<1x384x768xf32, #tpu.memory_space<any>> -> memref<384x768xf32, #tpu.memory_space<any>>
      tpu.enqueue_dma source(%dma_start3A_198 : memref<384x768xf32, #tpu.memory_space<any>>) target(%dma_start3A_194 : memref<384x768xf32, #tpu.memory_space<vmem>>) target_semaphore(%arg11 : memref<!tpu.dma_semaphore, #tpu.memory_space<semaphore_mem>>)
    } else {
    }
    %eq3A_38 = arith.constant 1 : i32
    %eq3A_39 = arith.cmpi eq, %get3A_4, %eq3A_38 : i32
    %eq3A_40 = arith.constant 1 : i32
    %eq3A_41 = arith.cmpi eq, %get3A_19, %eq3A_40 : i32
    %and3A_42 = arith.andi %eq3A_39, %eq3A_41 : i1
    %eq3A_43 = arith.constant 0 : i32
    %eq3A_44 = arith.cmpi eq, %get3A_7, %eq3A_43 : i32
    %and3A_45 = arith.andi %and3A_42, %eq3A_44 : i1
    %convert_element_type3A_46 = arith.extui %and3A_45 : i1 to i32
    %cond3A_47 = arith.constant 0 : i32
    %cond3A_48 = arith.cmpi ne, %convert_element_type3A_46, %cond3A_47 : i32
    scf.if %cond3A_48 {
      %dma_start3A = arith.constant 2 : i32
      %dma_start3A_164 = arith.constant 0 : i32
      %dma_start3A_165 = arith.constant 0 : i32
      %dma_start3A_166 = tpu.memref_slice %arg8[%dma_start3A, %dma_start3A_164, %dma_start3A_165] : memref<3x768x768xf32, #tpu.memory_space<vmem>> -> memref<1x384x768xf32, #tpu.memory_space<vmem>>
      %dma_start3A_167 = tpu.memref_squeeze %dma_start3A_166 : memref<1x384x768xf32, #tpu.memory_space<vmem>> -> memref<384x768xf32, #tpu.memory_space<vmem>>
      %dma_start3A_168 = arith.constant 0 : i32
      %dma_start3A_169 = arith.constant 0 : i32
      %dma_start3A_170 = tpu.memref_slice %arg3[%get3A_16, %dma_start3A_168, %dma_start3A_169] : memref<16x768x768xf32, #tpu.memory_space<any>> -> memref<1x384x768xf32, #tpu.memory_space<any>>
      %dma_start3A_171 = tpu.memref_squeeze %dma_start3A_170 : memref<1x384x768xf32, #tpu.memory_space<any>> -> memref<384x768xf32, #tpu.memory_space<any>>
      tpu.enqueue_dma source(%dma_start3A_171 : memref<384x768xf32, #tpu.memory_space<any>>) target(%dma_start3A_167 : memref<384x768xf32, #tpu.memory_space<vmem>>) target_semaphore(%arg12 : memref<!tpu.dma_semaphore, #tpu.memory_space<semaphore_mem>>)
      %dma_start3A_172 = arith.constant 2 : i32
      %dma_start3A_173 = arith.constant 384 : i32
      %dma_start3A_174 = arith.constant 0 : i32
      %dma_start3A_175 = tpu.memref_slice %arg8[%dma_start3A_172, %dma_start3A_173, %dma_start3A_174] : memref<3x768x768xf32, #tpu.memory_space<vmem>> -> memref<1x384x768xf32, #tpu.memory_space<vmem>>
      %dma_start3A_176 = tpu.memref_squeeze %dma_start3A_175 : memref<1x384x768xf32, #tpu.memory_space<vmem>> -> memref<384x768xf32, #tpu.memory_space<vmem>>
      %dma_start3A_177 = arith.constant 384 : i32
      %dma_start3A_178 = arith.constant 0 : i32
      %dma_start3A_179 = tpu.memref_slice %arg3[%get3A_16, %dma_start3A_177, %dma_start3A_178] : memref<16x768x768xf32, #tpu.memory_space<any>> -> memref<1x384x768xf32, #tpu.memory_space<any>>
      %dma_start3A_180 = tpu.memref_squeeze %dma_start3A_179 : memref<1x384x768xf32, #tpu.memory_space<any>> -> memref<384x768xf32, #tpu.memory_space<any>>
      tpu.enqueue_dma source(%dma_start3A_180 : memref<384x768xf32, #tpu.memory_space<any>>) target(%dma_start3A_176 : memref<384x768xf32, #tpu.memory_space<vmem>>) target_semaphore(%arg12 : memref<!tpu.dma_semaphore, #tpu.memory_space<semaphore_mem>>)
      %dma_start3A_181 = arith.constant 2 : i32
      %dma_start3A_182 = arith.constant 0 : i32
      %dma_start3A_183 = arith.constant 0 : i32
      %dma_start3A_184 = tpu.memref_slice %arg9[%dma_start3A_181, %dma_start3A_182, %dma_start3A_183] : memref<3x768x768xf32, #tpu.memory_space<vmem>> -> memref<1x384x768xf32, #tpu.memory_space<vmem>>
      %dma_start3A_185 = tpu.memref_squeeze %dma_start3A_184 : memref<1x384x768xf32, #tpu.memory_space<vmem>> -> memref<384x768xf32, #tpu.memory_space<vmem>>
      %dma_start3A_186 = arith.constant 0 : i32
      %dma_start3A_187 = arith.constant 0 : i32
      %dma_start3A_188 = tpu.memref_slice %arg5[%get3A_16, %dma_start3A_186, %dma_start3A_187] : memref<16x768x768xf32, #tpu.memory_space<any>> -> memref<1x384x768xf32, #tpu.memory_space<any>>
      %dma_start3A_189 = tpu.memref_squeeze %dma_start3A_188 : memref<1x384x768xf32, #tpu.memory_space<any>> -> memref<384x768xf32, #tpu.memory_space<any>>
      tpu.enqueue_dma source(%dma_start3A_189 : memref<384x768xf32, #tpu.memory_space<any>>) target(%dma_start3A_185 : memref<384x768xf32, #tpu.memory_space<vmem>>) target_semaphore(%arg12 : memref<!tpu.dma_semaphore, #tpu.memory_space<semaphore_mem>>)
      %dma_start3A_190 = arith.constant 2 : i32
      %dma_start3A_191 = arith.constant 384 : i32
      %dma_start3A_192 = arith.constant 0 : i32
      %dma_start3A_193 = tpu.memref_slice %arg9[%dma_start3A_190, %dma_start3A_191, %dma_start3A_192] : memref<3x768x768xf32, #tpu.memory_space<vmem>> -> memref<1x384x768xf32, #tpu.memory_space<vmem>>
      %dma_start3A_194 = tpu.memref_squeeze %dma_start3A_193 : memref<1x384x768xf32, #tpu.memory_space<vmem>> -> memref<384x768xf32, #tpu.memory_space<vmem>>
      %dma_start3A_195 = arith.constant 384 : i32
      %dma_start3A_196 = arith.constant 0 : i32
      %dma_start3A_197 = tpu.memref_slice %arg5[%get3A_16, %dma_start3A_195, %dma_start3A_196] : memref<16x768x768xf32, #tpu.memory_space<any>> -> memref<1x384x768xf32, #tpu.memory_space<any>>
      %dma_start3A_198 = tpu.memref_squeeze %dma_start3A_197 : memref<1x384x768xf32, #tpu.memory_space<any>> -> memref<384x768xf32, #tpu.memory_space<any>>
      tpu.enqueue_dma source(%dma_start3A_198 : memref<384x768xf32, #tpu.memory_space<any>>) target(%dma_start3A_194 : memref<384x768xf32, #tpu.memory_space<vmem>>) target_semaphore(%arg12 : memref<!tpu.dma_semaphore, #tpu.memory_space<semaphore_mem>>)
    } else {
    }
    %eq3A_49 = arith.constant 1 : i32
    %eq3A_50 = arith.cmpi eq, %get3A_4, %eq3A_49 : i32
    %eq3A_51 = arith.constant 1 : i32
    %eq3A_52 = arith.cmpi eq, %get3A_19, %eq3A_51 : i32
    %and3A_53 = arith.andi %eq3A_50, %eq3A_52 : i1
    %eq3A_54 = arith.constant 1 : i32
    %eq3A_55 = arith.cmpi eq, %get3A_7, %eq3A_54 : i32
    %and3A_56 = arith.andi %and3A_53, %eq3A_55 : i1
    %convert_element_type3A_57 = arith.extui %and3A_56 : i1 to i32
    %cond3A_58 = arith.constant 0 : i32
    %cond3A_59 = arith.cmpi ne, %convert_element_type3A_57, %cond3A_58 : i32
    scf.if %cond3A_59 {
      %dma_start3A = arith.constant 0 : i32
      %dma_start3A_164 = arith.constant 0 : i32
      %dma_start3A_165 = arith.constant 0 : i32
      %dma_start3A_166 = tpu.memref_slice %arg8[%dma_start3A, %dma_start3A_164, %dma_start3A_165] : memref<3x768x768xf32, #tpu.memory_space<vmem>> -> memref<1x384x768xf32, #tpu.memory_space<vmem>>
      %dma_start3A_167 = tpu.memref_squeeze %dma_start3A_166 : memref<1x384x768xf32, #tpu.memory_space<vmem>> -> memref<384x768xf32, #tpu.memory_space<vmem>>
      %dma_start3A_168 = arith.constant 0 : i32
      %dma_start3A_169 = arith.constant 0 : i32
      %dma_start3A_170 = tpu.memref_slice %arg3[%get3A_16, %dma_start3A_168, %dma_start3A_169] : memref<16x768x768xf32, #tpu.memory_space<any>> -> memref<1x384x768xf32, #tpu.memory_space<any>>
      %dma_start3A_171 = tpu.memref_squeeze %dma_start3A_170 : memref<1x384x768xf32, #tpu.memory_space<any>> -> memref<384x768xf32, #tpu.memory_space<any>>
      tpu.enqueue_dma source(%dma_start3A_171 : memref<384x768xf32, #tpu.memory_space<any>>) target(%dma_start3A_167 : memref<384x768xf32, #tpu.memory_space<vmem>>) target_semaphore(%arg10 : memref<!tpu.dma_semaphore, #tpu.memory_space<semaphore_mem>>)
      %dma_start3A_172 = arith.constant 0 : i32
      %dma_start3A_173 = arith.constant 384 : i32
      %dma_start3A_174 = arith.constant 0 : i32
      %dma_start3A_175 = tpu.memref_slice %arg8[%dma_start3A_172, %dma_start3A_173, %dma_start3A_174] : memref<3x768x768xf32, #tpu.memory_space<vmem>> -> memref<1x384x768xf32, #tpu.memory_space<vmem>>
      %dma_start3A_176 = tpu.memref_squeeze %dma_start3A_175 : memref<1x384x768xf32, #tpu.memory_space<vmem>> -> memref<384x768xf32, #tpu.memory_space<vmem>>
      %dma_start3A_177 = arith.constant 384 : i32
      %dma_start3A_178 = arith.constant 0 : i32
      %dma_start3A_179 = tpu.memref_slice %arg3[%get3A_16, %dma_start3A_177, %dma_start3A_178] : memref<16x768x768xf32, #tpu.memory_space<any>> -> memref<1x384x768xf32, #tpu.memory_space<any>>
      %dma_start3A_180 = tpu.memref_squeeze %dma_start3A_179 : memref<1x384x768xf32, #tpu.memory_space<any>> -> memref<384x768xf32, #tpu.memory_space<any>>
      tpu.enqueue_dma source(%dma_start3A_180 : memref<384x768xf32, #tpu.memory_space<any>>) target(%dma_start3A_176 : memref<384x768xf32, #tpu.memory_space<vmem>>) target_semaphore(%arg10 : memref<!tpu.dma_semaphore, #tpu.memory_space<semaphore_mem>>)
      %dma_start3A_181 = arith.constant 0 : i32
      %dma_start3A_182 = arith.constant 0 : i32
      %dma_start3A_183 = arith.constant 0 : i32
      %dma_start3A_184 = tpu.memref_slice %arg9[%dma_start3A_181, %dma_start3A_182, %dma_start3A_183] : memref<3x768x768xf32, #tpu.memory_space<vmem>> -> memref<1x384x768xf32, #tpu.memory_space<vmem>>
      %dma_start3A_185 = tpu.memref_squeeze %dma_start3A_184 : memref<1x384x768xf32, #tpu.memory_space<vmem>> -> memref<384x768xf32, #tpu.memory_space<vmem>>
      %dma_start3A_186 = arith.constant 0 : i32
      %dma_start3A_187 = arith.constant 0 : i32
      %dma_start3A_188 = tpu.memref_slice %arg5[%get3A_16, %dma_start3A_186, %dma_start3A_187] : memref<16x768x768xf32, #tpu.memory_space<any>> -> memref<1x384x768xf32, #tpu.memory_space<any>>
      %dma_start3A_189 = tpu.memref_squeeze %dma_start3A_188 : memref<1x384x768xf32, #tpu.memory_space<any>> -> memref<384x768xf32, #tpu.memory_space<any>>
      tpu.enqueue_dma source(%dma_start3A_189 : memref<384x768xf32, #tpu.memory_space<any>>) target(%dma_start3A_185 : memref<384x768xf32, #tpu.memory_space<vmem>>) target_semaphore(%arg10 : memref<!tpu.dma_semaphore, #tpu.memory_space<semaphore_mem>>)
      %dma_start3A_190 = arith.constant 0 : i32
      %dma_start3A_191 = arith.constant 384 : i32
      %dma_start3A_192 = arith.constant 0 : i32
      %dma_start3A_193 = tpu.memref_slice %arg9[%dma_start3A_190, %dma_start3A_191, %dma_start3A_192] : memref<3x768x768xf32, #tpu.memory_space<vmem>> -> memref<1x384x768xf32, #tpu.memory_space<vmem>>
      %dma_start3A_194 = tpu.memref_squeeze %dma_start3A_193 : memref<1x384x768xf32, #tpu.memory_space<vmem>> -> memref<384x768xf32, #tpu.memory_space<vmem>>
      %dma_start3A_195 = arith.constant 384 : i32
      %dma_start3A_196 = arith.constant 0 : i32
      %dma_start3A_197 = tpu.memref_slice %arg5[%get3A_16, %dma_start3A_195, %dma_start3A_196] : memref<16x768x768xf32, #tpu.memory_space<any>> -> memref<1x384x768xf32, #tpu.memory_space<any>>
      %dma_start3A_198 = tpu.memref_squeeze %dma_start3A_197 : memref<1x384x768xf32, #tpu.memory_space<any>> -> memref<384x768xf32, #tpu.memory_space<any>>
      tpu.enqueue_dma source(%dma_start3A_198 : memref<384x768xf32, #tpu.memory_space<any>>) target(%dma_start3A_194 : memref<384x768xf32, #tpu.memory_space<vmem>>) target_semaphore(%arg10 : memref<!tpu.dma_semaphore, #tpu.memory_space<semaphore_mem>>)
    } else {
    }
    %eq3A_60 = arith.constant 1 : i32
    %eq3A_61 = arith.cmpi eq, %get3A_4, %eq3A_60 : i32
    %eq3A_62 = arith.constant 1 : i32
    %eq3A_63 = arith.cmpi eq, %get3A_19, %eq3A_62 : i32
    %and3A_64 = arith.andi %eq3A_61, %eq3A_63 : i1
    %eq3A_65 = arith.constant 2 : i32
    %eq3A_66 = arith.cmpi eq, %get3A_7, %eq3A_65 : i32
    %and3A_67 = arith.andi %and3A_64, %eq3A_66 : i1
    %convert_element_type3A_68 = arith.extui %and3A_67 : i1 to i32
    %cond3A_69 = arith.constant 0 : i32
    %cond3A_70 = arith.cmpi ne, %convert_element_type3A_68, %cond3A_69 : i32
    scf.if %cond3A_70 {
      %dma_start3A = arith.constant 1 : i32
      %dma_start3A_164 = arith.constant 0 : i32
      %dma_start3A_165 = arith.constant 0 : i32
      %dma_start3A_166 = tpu.memref_slice %arg8[%dma_start3A, %dma_start3A_164, %dma_start3A_165] : memref<3x768x768xf32, #tpu.memory_space<vmem>> -> memref<1x384x768xf32, #tpu.memory_space<vmem>>
      %dma_start3A_167 = tpu.memref_squeeze %dma_start3A_166 : memref<1x384x768xf32, #tpu.memory_space<vmem>> -> memref<384x768xf32, #tpu.memory_space<vmem>>
      %dma_start3A_168 = arith.constant 0 : i32
      %dma_start3A_169 = arith.constant 0 : i32
      %dma_start3A_170 = tpu.memref_slice %arg3[%get3A_16, %dma_start3A_168, %dma_start3A_169] : memref<16x768x768xf32, #tpu.memory_space<any>> -> memref<1x384x768xf32, #tpu.memory_space<any>>
      %dma_start3A_171 = tpu.memref_squeeze %dma_start3A_170 : memref<1x384x768xf32, #tpu.memory_space<any>> -> memref<384x768xf32, #tpu.memory_space<any>>
      tpu.enqueue_dma source(%dma_start3A_171 : memref<384x768xf32, #tpu.memory_space<any>>) target(%dma_start3A_167 : memref<384x768xf32, #tpu.memory_space<vmem>>) target_semaphore(%arg11 : memref<!tpu.dma_semaphore, #tpu.memory_space<semaphore_mem>>)
      %dma_start3A_172 = arith.constant 1 : i32
      %dma_start3A_173 = arith.constant 384 : i32
      %dma_start3A_174 = arith.constant 0 : i32
      %dma_start3A_175 = tpu.memref_slice %arg8[%dma_start3A_172, %dma_start3A_173, %dma_start3A_174] : memref<3x768x768xf32, #tpu.memory_space<vmem>> -> memref<1x384x768xf32, #tpu.memory_space<vmem>>
      %dma_start3A_176 = tpu.memref_squeeze %dma_start3A_175 : memref<1x384x768xf32, #tpu.memory_space<vmem>> -> memref<384x768xf32, #tpu.memory_space<vmem>>
      %dma_start3A_177 = arith.constant 384 : i32
      %dma_start3A_178 = arith.constant 0 : i32
      %dma_start3A_179 = tpu.memref_slice %arg3[%get3A_16, %dma_start3A_177, %dma_start3A_178] : memref<16x768x768xf32, #tpu.memory_space<any>> -> memref<1x384x768xf32, #tpu.memory_space<any>>
      %dma_start3A_180 = tpu.memref_squeeze %dma_start3A_179 : memref<1x384x768xf32, #tpu.memory_space<any>> -> memref<384x768xf32, #tpu.memory_space<any>>
      tpu.enqueue_dma source(%dma_start3A_180 : memref<384x768xf32, #tpu.memory_space<any>>) target(%dma_start3A_176 : memref<384x768xf32, #tpu.memory_space<vmem>>) target_semaphore(%arg11 : memref<!tpu.dma_semaphore, #tpu.memory_space<semaphore_mem>>)
      %dma_start3A_181 = arith.constant 1 : i32
      %dma_start3A_182 = arith.constant 0 : i32
      %dma_start3A_183 = arith.constant 0 : i32
      %dma_start3A_184 = tpu.memref_slice %arg9[%dma_start3A_181, %dma_start3A_182, %dma_start3A_183] : memref<3x768x768xf32, #tpu.memory_space<vmem>> -> memref<1x384x768xf32, #tpu.memory_space<vmem>>
      %dma_start3A_185 = tpu.memref_squeeze %dma_start3A_184 : memref<1x384x768xf32, #tpu.memory_space<vmem>> -> memref<384x768xf32, #tpu.memory_space<vmem>>
      %dma_start3A_186 = arith.constant 0 : i32
      %dma_start3A_187 = arith.constant 0 : i32
      %dma_start3A_188 = tpu.memref_slice %arg5[%get3A_16, %dma_start3A_186, %dma_start3A_187] : memref<16x768x768xf32, #tpu.memory_space<any>> -> memref<1x384x768xf32, #tpu.memory_space<any>>
      %dma_start3A_189 = tpu.memref_squeeze %dma_start3A_188 : memref<1x384x768xf32, #tpu.memory_space<any>> -> memref<384x768xf32, #tpu.memory_space<any>>
      tpu.enqueue_dma source(%dma_start3A_189 : memref<384x768xf32, #tpu.memory_space<any>>) target(%dma_start3A_185 : memref<384x768xf32, #tpu.memory_space<vmem>>) target_semaphore(%arg11 : memref<!tpu.dma_semaphore, #tpu.memory_space<semaphore_mem>>)
      %dma_start3A_190 = arith.constant 1 : i32
      %dma_start3A_191 = arith.constant 384 : i32
      %dma_start3A_192 = arith.constant 0 : i32
      %dma_start3A_193 = tpu.memref_slice %arg9[%dma_start3A_190, %dma_start3A_191, %dma_start3A_192] : memref<3x768x768xf32, #tpu.memory_space<vmem>> -> memref<1x384x768xf32, #tpu.memory_space<vmem>>
      %dma_start3A_194 = tpu.memref_squeeze %dma_start3A_193 : memref<1x384x768xf32, #tpu.memory_space<vmem>> -> memref<384x768xf32, #tpu.memory_space<vmem>>
      %dma_start3A_195 = arith.constant 384 : i32
      %dma_start3A_196 = arith.constant 0 : i32
      %dma_start3A_197 = tpu.memref_slice %arg5[%get3A_16, %dma_start3A_195, %dma_start3A_196] : memref<16x768x768xf32, #tpu.memory_space<any>> -> memref<1x384x768xf32, #tpu.memory_space<any>>
      %dma_start3A_198 = tpu.memref_squeeze %dma_start3A_197 : memref<1x384x768xf32, #tpu.memory_space<any>> -> memref<384x768xf32, #tpu.memory_space<any>>
      tpu.enqueue_dma source(%dma_start3A_198 : memref<384x768xf32, #tpu.memory_space<any>>) target(%dma_start3A_194 : memref<384x768xf32, #tpu.memory_space<vmem>>) target_semaphore(%arg11 : memref<!tpu.dma_semaphore, #tpu.memory_space<semaphore_mem>>)
    } else {
    }
    %eq3A_71 = arith.constant 1 : i32
    %eq3A_72 = arith.cmpi eq, %get3A_4, %eq3A_71 : i32
    %eq3A_73 = arith.constant 0 : i32
    %eq3A_74 = arith.cmpi eq, %get3A_7, %eq3A_73 : i32
    %and3A_75 = arith.andi %eq3A_72, %eq3A_74 : i1
    %convert_element_type3A_76 = arith.extui %and3A_75 : i1 to i32
    %cond3A_77 = arith.constant 0 : i32
    %cond3A_78 = arith.cmpi ne, %convert_element_type3A_76, %cond3A_77 : i32
    scf.if %cond3A_78 {
      %dma_wait3A = arith.constant 0 : i32
      %dma_wait3A_164 = arith.constant 0 : i32
      %dma_wait3A_165 = arith.constant 0 : i32
      %dma_wait3A_166 = tpu.memref_slice %arg8[%dma_wait3A, %dma_wait3A_164, %dma_wait3A_165] : memref<3x768x768xf32, #tpu.memory_space<vmem>> -> memref<1x384x768xf32, #tpu.memory_space<vmem>>
      %dma_wait3A_167 = tpu.memref_squeeze %dma_wait3A_166 : memref<1x384x768xf32, #tpu.memory_space<vmem>> -> memref<384x768xf32, #tpu.memory_space<vmem>>
      %dma_wait3A_168 = arith.constant 0 : i32
      %dma_wait3A_169 = arith.constant 0 : i32
      %dma_wait3A_170 = tpu.memref_slice %arg3[%get3A_1, %dma_wait3A_168, %dma_wait3A_169] : memref<16x768x768xf32, #tpu.memory_space<any>> -> memref<1x384x768xf32, #tpu.memory_space<any>>
      %dma_wait3A_171 = tpu.memref_squeeze %dma_wait3A_170 : memref<1x384x768xf32, #tpu.memory_space<any>> -> memref<384x768xf32, #tpu.memory_space<any>>
      tpu.wait_dma2 semaphore(%arg10 : memref<!tpu.dma_semaphore, #tpu.memory_space<semaphore_mem>>) src(%dma_wait3A_171 : memref<384x768xf32, #tpu.memory_space<any>>) dst(%dma_wait3A_167 : memref<384x768xf32, #tpu.memory_space<vmem>>)
      %dma_wait3A_172 = arith.constant 0 : i32
      %dma_wait3A_173 = arith.constant 384 : i32
      %dma_wait3A_174 = arith.constant 0 : i32
      %dma_wait3A_175 = tpu.memref_slice %arg8[%dma_wait3A_172, %dma_wait3A_173, %dma_wait3A_174] : memref<3x768x768xf32, #tpu.memory_space<vmem>> -> memref<1x384x768xf32, #tpu.memory_space<vmem>>
      %dma_wait3A_176 = tpu.memref_squeeze %dma_wait3A_175 : memref<1x384x768xf32, #tpu.memory_space<vmem>> -> memref<384x768xf32, #tpu.memory_space<vmem>>
      %dma_wait3A_177 = arith.constant 384 : i32
      %dma_wait3A_178 = arith.constant 0 : i32
      %dma_wait3A_179 = tpu.memref_slice %arg3[%get3A_1, %dma_wait3A_177, %dma_wait3A_178] : memref<16x768x768xf32, #tpu.memory_space<any>> -> memref<1x384x768xf32, #tpu.memory_space<any>>
      %dma_wait3A_180 = tpu.memref_squeeze %dma_wait3A_179 : memref<1x384x768xf32, #tpu.memory_space<any>> -> memref<384x768xf32, #tpu.memory_space<any>>
      tpu.wait_dma2 semaphore(%arg10 : memref<!tpu.dma_semaphore, #tpu.memory_space<semaphore_mem>>) src(%dma_wait3A_180 : memref<384x768xf32, #tpu.memory_space<any>>) dst(%dma_wait3A_176 : memref<384x768xf32, #tpu.memory_space<vmem>>)
      %dma_wait3A_181 = arith.constant 0 : i32
      %dma_wait3A_182 = arith.constant 0 : i32
      %dma_wait3A_183 = arith.constant 0 : i32
      %dma_wait3A_184 = tpu.memref_slice %arg9[%dma_wait3A_181, %dma_wait3A_182, %dma_wait3A_183] : memref<3x768x768xf32, #tpu.memory_space<vmem>> -> memref<1x384x768xf32, #tpu.memory_space<vmem>>
      %dma_wait3A_185 = tpu.memref_squeeze %dma_wait3A_184 : memref<1x384x768xf32, #tpu.memory_space<vmem>> -> memref<384x768xf32, #tpu.memory_space<vmem>>
      %dma_wait3A_186 = arith.constant 0 : i32
      %dma_wait3A_187 = arith.constant 0 : i32
      %dma_wait3A_188 = tpu.memref_slice %arg5[%get3A_1, %dma_wait3A_186, %dma_wait3A_187] : memref<16x768x768xf32, #tpu.memory_space<any>> -> memref<1x384x768xf32, #tpu.memory_space<any>>
      %dma_wait3A_189 = tpu.memref_squeeze %dma_wait3A_188 : memref<1x384x768xf32, #tpu.memory_space<any>> -> memref<384x768xf32, #tpu.memory_space<any>>
      tpu.wait_dma2 semaphore(%arg10 : memref<!tpu.dma_semaphore, #tpu.memory_space<semaphore_mem>>) src(%dma_wait3A_189 : memref<384x768xf32, #tpu.memory_space<any>>) dst(%dma_wait3A_185 : memref<384x768xf32, #tpu.memory_space<vmem>>)
      %dma_wait3A_190 = arith.constant 0 : i32
      %dma_wait3A_191 = arith.constant 384 : i32
      %dma_wait3A_192 = arith.constant 0 : i32
      %dma_wait3A_193 = tpu.memref_slice %arg9[%dma_wait3A_190, %dma_wait3A_191, %dma_wait3A_192] : memref<3x768x768xf32, #tpu.memory_space<vmem>> -> memref<1x384x768xf32, #tpu.memory_space<vmem>>
      %dma_wait3A_194 = tpu.memref_squeeze %dma_wait3A_193 : memref<1x384x768xf32, #tpu.memory_space<vmem>> -> memref<384x768xf32, #tpu.memory_space<vmem>>
      %dma_wait3A_195 = arith.constant 384 : i32
      %dma_wait3A_196 = arith.constant 0 : i32
      %dma_wait3A_197 = tpu.memref_slice %arg5[%get3A_1, %dma_wait3A_195, %dma_wait3A_196] : memref<16x768x768xf32, #tpu.memory_space<any>> -> memref<1x384x768xf32, #tpu.memory_space<any>>
      %dma_wait3A_198 = tpu.memref_squeeze %dma_wait3A_197 : memref<1x384x768xf32, #tpu.memory_space<any>> -> memref<384x768xf32, #tpu.memory_space<any>>
      tpu.wait_dma2 semaphore(%arg10 : memref<!tpu.dma_semaphore, #tpu.memory_space<semaphore_mem>>) src(%dma_wait3A_198 : memref<384x768xf32, #tpu.memory_space<any>>) dst(%dma_wait3A_194 : memref<384x768xf32, #tpu.memory_space<vmem>>)
    } else {
    }
    %eq3A_79 = arith.constant 1 : i32
    %eq3A_80 = arith.cmpi eq, %get3A_4, %eq3A_79 : i32
    %eq3A_81 = arith.constant 1 : i32
    %eq3A_82 = arith.cmpi eq, %get3A_7, %eq3A_81 : i32
    %and3A_83 = arith.andi %eq3A_80, %eq3A_82 : i1
    %convert_element_type3A_84 = arith.extui %and3A_83 : i1 to i32
    %cond3A_85 = arith.constant 0 : i32
    %cond3A_86 = arith.cmpi ne, %convert_element_type3A_84, %cond3A_85 : i32
    scf.if %cond3A_86 {
      %dma_wait3A = arith.constant 1 : i32
      %dma_wait3A_164 = arith.constant 0 : i32
      %dma_wait3A_165 = arith.constant 0 : i32
      %dma_wait3A_166 = tpu.memref_slice %arg8[%dma_wait3A, %dma_wait3A_164, %dma_wait3A_165] : memref<3x768x768xf32, #tpu.memory_space<vmem>> -> memref<1x384x768xf32, #tpu.memory_space<vmem>>
      %dma_wait3A_167 = tpu.memref_squeeze %dma_wait3A_166 : memref<1x384x768xf32, #tpu.memory_space<vmem>> -> memref<384x768xf32, #tpu.memory_space<vmem>>
      %dma_wait3A_168 = arith.constant 0 : i32
      %dma_wait3A_169 = arith.constant 0 : i32
      %dma_wait3A_170 = tpu.memref_slice %arg3[%get3A_1, %dma_wait3A_168, %dma_wait3A_169] : memref<16x768x768xf32, #tpu.memory_space<any>> -> memref<1x384x768xf32, #tpu.memory_space<any>>
      %dma_wait3A_171 = tpu.memref_squeeze %dma_wait3A_170 : memref<1x384x768xf32, #tpu.memory_space<any>> -> memref<384x768xf32, #tpu.memory_space<any>>
      tpu.wait_dma2 semaphore(%arg11 : memref<!tpu.dma_semaphore, #tpu.memory_space<semaphore_mem>>) src(%dma_wait3A_171 : memref<384x768xf32, #tpu.memory_space<any>>) dst(%dma_wait3A_167 : memref<384x768xf32, #tpu.memory_space<vmem>>)
      %dma_wait3A_172 = arith.constant 1 : i32
      %dma_wait3A_173 = arith.constant 384 : i32
      %dma_wait3A_174 = arith.constant 0 : i32
      %dma_wait3A_175 = tpu.memref_slice %arg8[%dma_wait3A_172, %dma_wait3A_173, %dma_wait3A_174] : memref<3x768x768xf32, #tpu.memory_space<vmem>> -> memref<1x384x768xf32, #tpu.memory_space<vmem>>
      %dma_wait3A_176 = tpu.memref_squeeze %dma_wait3A_175 : memref<1x384x768xf32, #tpu.memory_space<vmem>> -> memref<384x768xf32, #tpu.memory_space<vmem>>
      %dma_wait3A_177 = arith.constant 384 : i32
      %dma_wait3A_178 = arith.constant 0 : i32
      %dma_wait3A_179 = tpu.memref_slice %arg3[%get3A_1, %dma_wait3A_177, %dma_wait3A_178] : memref<16x768x768xf32, #tpu.memory_space<any>> -> memref<1x384x768xf32, #tpu.memory_space<any>>
      %dma_wait3A_180 = tpu.memref_squeeze %dma_wait3A_179 : memref<1x384x768xf32, #tpu.memory_space<any>> -> memref<384x768xf32, #tpu.memory_space<any>>
      tpu.wait_dma2 semaphore(%arg11 : memref<!tpu.dma_semaphore, #tpu.memory_space<semaphore_mem>>) src(%dma_wait3A_180 : memref<384x768xf32, #tpu.memory_space<any>>) dst(%dma_wait3A_176 : memref<384x768xf32, #tpu.memory_space<vmem>>)
      %dma_wait3A_181 = arith.constant 1 : i32
      %dma_wait3A_182 = arith.constant 0 : i32
      %dma_wait3A_183 = arith.constant 0 : i32
      %dma_wait3A_184 = tpu.memref_slice %arg9[%dma_wait3A_181, %dma_wait3A_182, %dma_wait3A_183] : memref<3x768x768xf32, #tpu.memory_space<vmem>> -> memref<1x384x768xf32, #tpu.memory_space<vmem>>
      %dma_wait3A_185 = tpu.memref_squeeze %dma_wait3A_184 : memref<1x384x768xf32, #tpu.memory_space<vmem>> -> memref<384x768xf32, #tpu.memory_space<vmem>>
      %dma_wait3A_186 = arith.constant 0 : i32
      %dma_wait3A_187 = arith.constant 0 : i32
      %dma_wait3A_188 = tpu.memref_slice %arg5[%get3A_1, %dma_wait3A_186, %dma_wait3A_187] : memref<16x768x768xf32, #tpu.memory_space<any>> -> memref<1x384x768xf32, #tpu.memory_space<any>>
      %dma_wait3A_189 = tpu.memref_squeeze %dma_wait3A_188 : memref<1x384x768xf32, #tpu.memory_space<any>> -> memref<384x768xf32, #tpu.memory_space<any>>
      tpu.wait_dma2 semaphore(%arg11 : memref<!tpu.dma_semaphore, #tpu.memory_space<semaphore_mem>>) src(%dma_wait3A_189 : memref<384x768xf32, #tpu.memory_space<any>>) dst(%dma_wait3A_185 : memref<384x768xf32, #tpu.memory_space<vmem>>)
      %dma_wait3A_190 = arith.constant 1 : i32
      %dma_wait3A_191 = arith.constant 384 : i32
      %dma_wait3A_192 = arith.constant 0 : i32
      %dma_wait3A_193 = tpu.memref_slice %arg9[%dma_wait3A_190, %dma_wait3A_191, %dma_wait3A_192] : memref<3x768x768xf32, #tpu.memory_space<vmem>> -> memref<1x384x768xf32, #tpu.memory_space<vmem>>
      %dma_wait3A_194 = tpu.memref_squeeze %dma_wait3A_193 : memref<1x384x768xf32, #tpu.memory_space<vmem>> -> memref<384x768xf32, #tpu.memory_space<vmem>>
      %dma_wait3A_195 = arith.constant 384 : i32
      %dma_wait3A_196 = arith.constant 0 : i32
      %dma_wait3A_197 = tpu.memref_slice %arg5[%get3A_1, %dma_wait3A_195, %dma_wait3A_196] : memref<16x768x768xf32, #tpu.memory_space<any>> -> memref<1x384x768xf32, #tpu.memory_space<any>>
      %dma_wait3A_198 = tpu.memref_squeeze %dma_wait3A_197 : memref<1x384x768xf32, #tpu.memory_space<any>> -> memref<384x768xf32, #tpu.memory_space<any>>
      tpu.wait_dma2 semaphore(%arg11 : memref<!tpu.dma_semaphore, #tpu.memory_space<semaphore_mem>>) src(%dma_wait3A_198 : memref<384x768xf32, #tpu.memory_space<any>>) dst(%dma_wait3A_194 : memref<384x768xf32, #tpu.memory_space<vmem>>)
    } else {
    }
    %eq3A_87 = arith.constant 1 : i32
    %eq3A_88 = arith.cmpi eq, %get3A_4, %eq3A_87 : i32
    %eq3A_89 = arith.constant 2 : i32
    %eq3A_90 = arith.cmpi eq, %get3A_7, %eq3A_89 : i32
    %and3A_91 = arith.andi %eq3A_88, %eq3A_90 : i1
    %convert_element_type3A_92 = arith.extui %and3A_91 : i1 to i32
    %cond3A_93 = arith.constant 0 : i32
    %cond3A_94 = arith.cmpi ne, %convert_element_type3A_92, %cond3A_93 : i32
    scf.if %cond3A_94 {
      %dma_wait3A = arith.constant 2 : i32
      %dma_wait3A_164 = arith.constant 0 : i32
      %dma_wait3A_165 = arith.constant 0 : i32
      %dma_wait3A_166 = tpu.memref_slice %arg8[%dma_wait3A, %dma_wait3A_164, %dma_wait3A_165] : memref<3x768x768xf32, #tpu.memory_space<vmem>> -> memref<1x384x768xf32, #tpu.memory_space<vmem>>
      %dma_wait3A_167 = tpu.memref_squeeze %dma_wait3A_166 : memref<1x384x768xf32, #tpu.memory_space<vmem>> -> memref<384x768xf32, #tpu.memory_space<vmem>>
      %dma_wait3A_168 = arith.constant 0 : i32
      %dma_wait3A_169 = arith.constant 0 : i32
      %dma_wait3A_170 = tpu.memref_slice %arg3[%get3A_1, %dma_wait3A_168, %dma_wait3A_169] : memref<16x768x768xf32, #tpu.memory_space<any>> -> memref<1x384x768xf32, #tpu.memory_space<any>>
      %dma_wait3A_171 = tpu.memref_squeeze %dma_wait3A_170 : memref<1x384x768xf32, #tpu.memory_space<any>> -> memref<384x768xf32, #tpu.memory_space<any>>
      tpu.wait_dma2 semaphore(%arg12 : memref<!tpu.dma_semaphore, #tpu.memory_space<semaphore_mem>>) src(%dma_wait3A_171 : memref<384x768xf32, #tpu.memory_space<any>>) dst(%dma_wait3A_167 : memref<384x768xf32, #tpu.memory_space<vmem>>)
      %dma_wait3A_172 = arith.constant 2 : i32
      %dma_wait3A_173 = arith.constant 384 : i32
      %dma_wait3A_174 = arith.constant 0 : i32
      %dma_wait3A_175 = tpu.memref_slice %arg8[%dma_wait3A_172, %dma_wait3A_173, %dma_wait3A_174] : memref<3x768x768xf32, #tpu.memory_space<vmem>> -> memref<1x384x768xf32, #tpu.memory_space<vmem>>
      %dma_wait3A_176 = tpu.memref_squeeze %dma_wait3A_175 : memref<1x384x768xf32, #tpu.memory_space<vmem>> -> memref<384x768xf32, #tpu.memory_space<vmem>>
      %dma_wait3A_177 = arith.constant 384 : i32
      %dma_wait3A_178 = arith.constant 0 : i32
      %dma_wait3A_179 = tpu.memref_slice %arg3[%get3A_1, %dma_wait3A_177, %dma_wait3A_178] : memref<16x768x768xf32, #tpu.memory_space<any>> -> memref<1x384x768xf32, #tpu.memory_space<any>>
      %dma_wait3A_180 = tpu.memref_squeeze %dma_wait3A_179 : memref<1x384x768xf32, #tpu.memory_space<any>> -> memref<384x768xf32, #tpu.memory_space<any>>
      tpu.wait_dma2 semaphore(%arg12 : memref<!tpu.dma_semaphore, #tpu.memory_space<semaphore_mem>>) src(%dma_wait3A_180 : memref<384x768xf32, #tpu.memory_space<any>>) dst(%dma_wait3A_176 : memref<384x768xf32, #tpu.memory_space<vmem>>)
      %dma_wait3A_181 = arith.constant 2 : i32
      %dma_wait3A_182 = arith.constant 0 : i32
      %dma_wait3A_183 = arith.constant 0 : i32
      %dma_wait3A_184 = tpu.memref_slice %arg9[%dma_wait3A_181, %dma_wait3A_182, %dma_wait3A_183] : memref<3x768x768xf32, #tpu.memory_space<vmem>> -> memref<1x384x768xf32, #tpu.memory_space<vmem>>
      %dma_wait3A_185 = tpu.memref_squeeze %dma_wait3A_184 : memref<1x384x768xf32, #tpu.memory_space<vmem>> -> memref<384x768xf32, #tpu.memory_space<vmem>>
      %dma_wait3A_186 = arith.constant 0 : i32
      %dma_wait3A_187 = arith.constant 0 : i32
      %dma_wait3A_188 = tpu.memref_slice %arg5[%get3A_1, %dma_wait3A_186, %dma_wait3A_187] : memref<16x768x768xf32, #tpu.memory_space<any>> -> memref<1x384x768xf32, #tpu.memory_space<any>>
      %dma_wait3A_189 = tpu.memref_squeeze %dma_wait3A_188 : memref<1x384x768xf32, #tpu.memory_space<any>> -> memref<384x768xf32, #tpu.memory_space<any>>
      tpu.wait_dma2 semaphore(%arg12 : memref<!tpu.dma_semaphore, #tpu.memory_space<semaphore_mem>>) src(%dma_wait3A_189 : memref<384x768xf32, #tpu.memory_space<any>>) dst(%dma_wait3A_185 : memref<384x768xf32, #tpu.memory_space<vmem>>)
      %dma_wait3A_190 = arith.constant 2 : i32
      %dma_wait3A_191 = arith.constant 384 : i32
      %dma_wait3A_192 = arith.constant 0 : i32
      %dma_wait3A_193 = tpu.memref_slice %arg9[%dma_wait3A_190, %dma_wait3A_191, %dma_wait3A_192] : memref<3x768x768xf32, #tpu.memory_space<vmem>> -> memref<1x384x768xf32, #tpu.memory_space<vmem>>
      %dma_wait3A_194 = tpu.memref_squeeze %dma_wait3A_193 : memref<1x384x768xf32, #tpu.memory_space<vmem>> -> memref<384x768xf32, #tpu.memory_space<vmem>>
      %dma_wait3A_195 = arith.constant 384 : i32
      %dma_wait3A_196 = arith.constant 0 : i32
      %dma_wait3A_197 = tpu.memref_slice %arg5[%get3A_1, %dma_wait3A_195, %dma_wait3A_196] : memref<16x768x768xf32, #tpu.memory_space<any>> -> memref<1x384x768xf32, #tpu.memory_space<any>>
      %dma_wait3A_198 = tpu.memref_squeeze %dma_wait3A_197 : memref<1x384x768xf32, #tpu.memory_space<any>> -> memref<384x768xf32, #tpu.memory_space<any>>
      tpu.wait_dma2 semaphore(%arg12 : memref<!tpu.dma_semaphore, #tpu.memory_space<semaphore_mem>>) src(%dma_wait3A_198 : memref<384x768xf32, #tpu.memory_space<any>>) dst(%dma_wait3A_194 : memref<384x768xf32, #tpu.memory_space<vmem>>)
    } else {
    }
    %rem3A = arith.constant 3 : i32
    %rem3A_95 = arith.remsi %arg0, %rem3A : i32
    %get3A_96 = arith.index_cast %arg0 : i32 to index
    %get3A_97 = arith.constant 7 : index
    %get3A_98 = memref.load %arg1[%get3A_96, %get3A_97] : memref<24x8xi32, #tpu.memory_space<smem>>
    %eq3A_99 = arith.constant 0 : i32
    %eq3A_100 = arith.cmpi eq, %rem3A_95, %eq3A_99 : i32
    %eq3A_101 = arith.constant 1 : i32
    %eq3A_102 = arith.cmpi eq, %get3A_98, %eq3A_101 : i32
    %and3A_103 = arith.andi %eq3A_100, %eq3A_102 : i1
    %convert_element_type3A_104 = arith.extui %and3A_103 : i1 to i32
    %cond3A_105 = arith.constant 0 : i32
    %cond3A_106 = arith.cmpi ne, %convert_element_type3A_104, %cond3A_105 : i32
    scf.if %cond3A_106 {
      %mul3A = arith.constant 256 : i32
      %mul3A_164 = arith.muli %arg0, %mul3A : i32
      %dma_wait3A = arith.constant 0 : i32
      %dma_wait3A_165 = arith.constant 0 : i32
      %dma_wait3A_166 = arith.constant 0 : i32
      %dma_wait3A_167 = tpu.memref_slice %arg13[%dma_wait3A, %dma_wait3A_165, %dma_wait3A_166] : memref<3x256x768xf32, #tpu.memory_space<vmem>> -> memref<1x256x768xf32, #tpu.memory_space<vmem>>
      %dma_wait3A_168 = tpu.memref_squeeze %dma_wait3A_167 : memref<1x256x768xf32, #tpu.memory_space<vmem>> -> memref<256x768xf32, #tpu.memory_space<vmem>>
      %dma_wait3A_169 = arith.constant 0 : i32
      %dma_wait3A_170 = tpu.memref_slice %arg2[%mul3A_164, %dma_wait3A_169] : memref<6144x768xf32, #tpu.memory_space<any>> -> memref<256x768xf32, #tpu.memory_space<any>>
      tpu.wait_dma2 semaphore(%arg17 : memref<!tpu.dma_semaphore, #tpu.memory_space<semaphore_mem>>) src(%dma_wait3A_170 : memref<256x768xf32, #tpu.memory_space<any>>) dst(%dma_wait3A_168 : memref<256x768xf32, #tpu.memory_space<vmem>>)
    } else {
    }
    %eq3A_107 = arith.constant 1 : i32
    %eq3A_108 = arith.cmpi eq, %rem3A_95, %eq3A_107 : i32
    %eq3A_109 = arith.constant 1 : i32
    %eq3A_110 = arith.cmpi eq, %get3A_98, %eq3A_109 : i32
    %and3A_111 = arith.andi %eq3A_108, %eq3A_110 : i1
    %convert_element_type3A_112 = arith.extui %and3A_111 : i1 to i32
    %cond3A_113 = arith.constant 0 : i32
    %cond3A_114 = arith.cmpi ne, %convert_element_type3A_112, %cond3A_113 : i32
    scf.if %cond3A_114 {
      %mul3A = arith.constant 256 : i32
      %mul3A_164 = arith.muli %arg0, %mul3A : i32
      %dma_wait3A = arith.constant 1 : i32
      %dma_wait3A_165 = arith.constant 0 : i32
      %dma_wait3A_166 = arith.constant 0 : i32
      %dma_wait3A_167 = tpu.memref_slice %arg13[%dma_wait3A, %dma_wait3A_165, %dma_wait3A_166] : memref<3x256x768xf32, #tpu.memory_space<vmem>> -> memref<1x256x768xf32, #tpu.memory_space<vmem>>
      %dma_wait3A_168 = tpu.memref_squeeze %dma_wait3A_167 : memref<1x256x768xf32, #tpu.memory_space<vmem>> -> memref<256x768xf32, #tpu.memory_space<vmem>>
      %dma_wait3A_169 = arith.constant 0 : i32
      %dma_wait3A_170 = tpu.memref_slice %arg2[%mul3A_164, %dma_wait3A_169] : memref<6144x768xf32, #tpu.memory_space<any>> -> memref<256x768xf32, #tpu.memory_space<any>>
      tpu.wait_dma2 semaphore(%arg18 : memref<!tpu.dma_semaphore, #tpu.memory_space<semaphore_mem>>) src(%dma_wait3A_170 : memref<256x768xf32, #tpu.memory_space<any>>) dst(%dma_wait3A_168 : memref<256x768xf32, #tpu.memory_space<vmem>>)
    } else {
    }
    %eq3A_115 = arith.constant 2 : i32
    %eq3A_116 = arith.cmpi eq, %rem3A_95, %eq3A_115 : i32
    %eq3A_117 = arith.constant 1 : i32
    %eq3A_118 = arith.cmpi eq, %get3A_98, %eq3A_117 : i32
    %and3A_119 = arith.andi %eq3A_116, %eq3A_118 : i1
    %convert_element_type3A_120 = arith.extui %and3A_119 : i1 to i32
    %cond3A_121 = arith.constant 0 : i32
    %cond3A_122 = arith.cmpi ne, %convert_element_type3A_120, %cond3A_121 : i32
    scf.if %cond3A_122 {
      %mul3A = arith.constant 256 : i32
      %mul3A_164 = arith.muli %arg0, %mul3A : i32
      %dma_wait3A = arith.constant 2 : i32
      %dma_wait3A_165 = arith.constant 0 : i32
      %dma_wait3A_166 = arith.constant 0 : i32
      %dma_wait3A_167 = tpu.memref_slice %arg13[%dma_wait3A, %dma_wait3A_165, %dma_wait3A_166] : memref<3x256x768xf32, #tpu.memory_space<vmem>> -> memref<1x256x768xf32, #tpu.memory_space<vmem>>
      %dma_wait3A_168 = tpu.memref_squeeze %dma_wait3A_167 : memref<1x256x768xf32, #tpu.memory_space<vmem>> -> memref<256x768xf32, #tpu.memory_space<vmem>>
      %dma_wait3A_169 = arith.constant 0 : i32
      %dma_wait3A_170 = tpu.memref_slice %arg2[%mul3A_164, %dma_wait3A_169] : memref<6144x768xf32, #tpu.memory_space<any>> -> memref<256x768xf32, #tpu.memory_space<any>>
      tpu.wait_dma2 semaphore(%arg19 : memref<!tpu.dma_semaphore, #tpu.memory_space<semaphore_mem>>) src(%dma_wait3A_170 : memref<256x768xf32, #tpu.memory_space<any>>) dst(%dma_wait3A_168 : memref<256x768xf32, #tpu.memory_space<vmem>>)
    } else {
    }
    %get3A_123 = arith.index_cast %arg0 : i32 to index
    %get3A_124 = arith.constant 7 : index
    %get3A_125 = memref.load %arg1[%get3A_123, %get3A_124] : memref<24x8xi32, #tpu.memory_space<smem>>
    %eq3A_126 = arith.constant 1 : i32
    %eq3A_127 = arith.cmpi eq, %get3A_125, %eq3A_126 : i32
    %convert_element_type3A_128 = arith.extui %eq3A_127 : i1 to i32
    %cond3A_129 = arith.constant 0 : i32
    %cond3A_130 = arith.cmpi ne, %convert_element_type3A_128, %cond3A_129 : i32
    scf.if %cond3A_130 {
      %eq3A_164 = arith.constant 0 : i32
      %eq3A_165 = arith.cmpi eq, %rem3A_95, %eq3A_164 : i32
      %convert_element_type3A_166 = arith.extui %eq3A_165 : i1 to i32
      %cond3A_167 = arith.constant 0 : i32
      %cond3A_168 = arith.cmpi ne, %convert_element_type3A_166, %cond3A_167 : i32
      scf.if %cond3A_168 {
        %get3A_179 = arith.constant 0 : index
        %get3A_180 = arith.constant 0 : index
        %get3A_181 = arith.constant 0 : index
        %get3A_182 = vector.load %arg13[%get3A_179, %get3A_180, %get3A_181] : memref<3x256x768xf32, #tpu.memory_space<vmem>>, vector<1x256x768xf32>
        %get3A_183 = vector.shape_cast %get3A_182 : vector<1x256x768xf32> to vector<256x768xf32>
        %get3A_184 = arith.index_cast %get3A_7 : i32 to index
        %get3A_185 = arith.constant 0 : index
        %get3A_186 = arith.constant 0 : index
        %get3A_187 = vector.load %arg8[%get3A_184, %get3A_185, %get3A_186] : memref<3x768x768xf32, #tpu.memory_space<vmem>>, vector<1x768x768xf32>
        %get3A_188 = vector.shape_cast %get3A_187 : vector<1x768x768xf32> to vector<768x768xf32>
        %dot_general3A = arith.constant dense<0.000000e+00> : vector<256x768xf32>
        %dot_general3A_189 = tpu.matmul %get3A_183, %get3A_188, %dot_general3A {dimension_numbers = #tpu.dot_dimension_numbers<[1], [0], [0], [1], [0, 0, 1, 1], [], []>, transpose_lhs_hint = false} : vector<256x768xf32>, vector<768x768xf32>, vector<256x768xf32> -> vector<256x768xf32>
        %get3A_190 = arith.index_cast %get3A_1 : i32 to index
        %get3A_191 = arith.constant 0 : index
        %get3A_192 = vector.load %arg15[%get3A_190, %get3A_191] : memref<16x768xf32, #tpu.memory_space<vmem>>, vector<1x768xf32>
        %get3A_193 = vector.shape_cast %get3A_192 : vector<1x768xf32> to vector<768xf32>
        %broadcast_in_dim3A = vector.shape_cast %get3A_193 : vector<768xf32> to vector<1x768xf32>
        %add3A = vector.broadcast %broadcast_in_dim3A : vector<1x768xf32> to vector<256x768xf32>
        %add3A_194 = arith.addf %dot_general3A_189, %add3A : vector<256x768xf32>
        %mul3A = arith.constant 5.000000e-01 : f32
        %mul3A_195 = vector.broadcast %mul3A : f32 to vector<256x768xf32>
        %mul3A_196 = arith.mulf %mul3A_195, %add3A_194 : vector<256x768xf32>
        %mul3A_197 = arith.constant 0.707106769 : f32
        %mul3A_198 = vector.broadcast %mul3A_197 : f32 to vector<256x768xf32>
        %mul3A_199 = arith.mulf %add3A_194, %mul3A_198 : vector<256x768xf32>
        %erf3A = math.erf %mul3A_199 : vector<256x768xf32>
        %add3A_200 = arith.constant 1.000000e+00 : f32
        %add3A_201 = vector.broadcast %add3A_200 : f32 to vector<256x768xf32>
        %add3A_202 = arith.addf %add3A_201, %erf3A : vector<256x768xf32>
        %mul3A_203 = arith.mulf %mul3A_196, %add3A_202 : vector<256x768xf32>
        %get3A_204 = arith.index_cast %get3A_7 : i32 to index
        %get3A_205 = arith.constant 0 : index
        %get3A_206 = arith.constant 0 : index
        %get3A_207 = vector.load %arg9[%get3A_204, %get3A_205, %get3A_206] : memref<3x768x768xf32, #tpu.memory_space<vmem>>, vector<1x768x768xf32>
        %get3A_208 = vector.shape_cast %get3A_207 : vector<1x768x768xf32> to vector<768x768xf32>
        %dot_general3A_209 = arith.constant dense<0.000000e+00> : vector<256x768xf32>
        %dot_general3A_210 = tpu.matmul %mul3A_203, %get3A_208, %dot_general3A_209 {dimension_numbers = #tpu.dot_dimension_numbers<[1], [0], [0], [1], [0, 0, 1, 1], [], []>, transpose_lhs_hint = false} : vector<256x768xf32>, vector<768x768xf32>, vector<256x768xf32> -> vector<256x768xf32>
        %get3A_211 = arith.index_cast %get3A_1 : i32 to index
        %get3A_212 = arith.constant 0 : index
        %get3A_213 = vector.load %arg16[%get3A_211, %get3A_212] : memref<16x768xf32, #tpu.memory_space<vmem>>, vector<1x768xf32>
        %get3A_214 = vector.shape_cast %get3A_213 : vector<1x768xf32> to vector<768xf32>
        %broadcast_in_dim3A_215 = vector.shape_cast %get3A_214 : vector<768xf32> to vector<1x768xf32>
        %add3A_216 = vector.broadcast %broadcast_in_dim3A_215 : vector<1x768xf32> to vector<256x768xf32>
        %add3A_217 = arith.addf %dot_general3A_210, %add3A_216 : vector<256x768xf32>
        %swap3A = arith.constant 0 : index
        %swap3A_218 = arith.constant 0 : index
        %swap3A_219 = arith.constant 0 : index
        %swap3A_220 = vector.load %arg14[%swap3A, %swap3A_218, %swap3A_219] : memref<3x256x768xf32, #tpu.memory_space<vmem>>, vector<1x256x768xf32>
        %swap3A_221 = vector.shape_cast %swap3A_220 : vector<1x256x768xf32> to vector<256x768xf32>
        %swap3A_222 = vector.shape_cast %add3A_217 : vector<256x768xf32> to vector<1x256x768xf32>
        tpu.vector_store %arg14[%swap3A, %swap3A_218, %swap3A_219], %swap3A_222 {strides = array<i32>} : memref<3x256x768xf32, #tpu.memory_space<vmem>>, vector<1x256x768xf32>,
      } else {
      }
      %eq3A_169 = arith.constant 1 : i32
      %eq3A_170 = arith.cmpi eq, %rem3A_95, %eq3A_169 : i32
      %convert_element_type3A_171 = arith.extui %eq3A_170 : i1 to i32
      %cond3A_172 = arith.constant 0 : i32
      %cond3A_173 = arith.cmpi ne, %convert_element_type3A_171, %cond3A_172 : i32
      scf.if %cond3A_173 {
        %get3A_179 = arith.constant 1 : index
        %get3A_180 = arith.constant 0 : index
        %get3A_181 = arith.constant 0 : index
        %get3A_182 = vector.load %arg13[%get3A_179, %get3A_180, %get3A_181] : memref<3x256x768xf32, #tpu.memory_space<vmem>>, vector<1x256x768xf32>
        %get3A_183 = vector.shape_cast %get3A_182 : vector<1x256x768xf32> to vector<256x768xf32>
        %get3A_184 = arith.index_cast %get3A_7 : i32 to index
        %get3A_185 = arith.constant 0 : index
        %get3A_186 = arith.constant 0 : index
        %get3A_187 = vector.load %arg8[%get3A_184, %get3A_185, %get3A_186] : memref<3x768x768xf32, #tpu.memory_space<vmem>>, vector<1x768x768xf32>
        %get3A_188 = vector.shape_cast %get3A_187 : vector<1x768x768xf32> to vector<768x768xf32>
        %dot_general3A = arith.constant dense<0.000000e+00> : vector<256x768xf32>
        %dot_general3A_189 = tpu.matmul %get3A_183, %get3A_188, %dot_general3A {dimension_numbers = #tpu.dot_dimension_numbers<[1], [0], [0], [1], [0, 0, 1, 1], [], []>, transpose_lhs_hint = false} : vector<256x768xf32>, vector<768x768xf32>, vector<256x768xf32> -> vector<256x768xf32>
        %get3A_190 = arith.index_cast %get3A_1 : i32 to index
        %get3A_191 = arith.constant 0 : index
        %get3A_192 = vector.load %arg15[%get3A_190, %get3A_191] : memref<16x768xf32, #tpu.memory_space<vmem>>, vector<1x768xf32>
        %get3A_193 = vector.shape_cast %get3A_192 : vector<1x768xf32> to vector<768xf32>
        %broadcast_in_dim3A = vector.shape_cast %get3A_193 : vector<768xf32> to vector<1x768xf32>
        %add3A = vector.broadcast %broadcast_in_dim3A : vector<1x768xf32> to vector<256x768xf32>
        %add3A_194 = arith.addf %dot_general3A_189, %add3A : vector<256x768xf32>
        %mul3A = arith.constant 5.000000e-01 : f32
        %mul3A_195 = vector.broadcast %mul3A : f32 to vector<256x768xf32>
        %mul3A_196 = arith.mulf %mul3A_195, %add3A_194 : vector<256x768xf32>
        %mul3A_197 = arith.constant 0.707106769 : f32
        %mul3A_198 = vector.broadcast %mul3A_197 : f32 to vector<256x768xf32>
        %mul3A_199 = arith.mulf %add3A_194, %mul3A_198 : vector<256x768xf32>
        %erf3A = math.erf %mul3A_199 : vector<256x768xf32>
        %add3A_200 = arith.constant 1.000000e+00 : f32
        %add3A_201 = vector.broadcast %add3A_200 : f32 to vector<256x768xf32>
        %add3A_202 = arith.addf %add3A_201, %erf3A : vector<256x768xf32>
        %mul3A_203 = arith.mulf %mul3A_196, %add3A_202 : vector<256x768xf32>
        %get3A_204 = arith.index_cast %get3A_7 : i32 to index
        %get3A_205 = arith.constant 0 : index
        %get3A_206 = arith.constant 0 : index
        %get3A_207 = vector.load %arg9[%get3A_204, %get3A_205, %get3A_206] : memref<3x768x768xf32, #tpu.memory_space<vmem>>, vector<1x768x768xf32>
        %get3A_208 = vector.shape_cast %get3A_207 : vector<1x768x768xf32> to vector<768x768xf32>
        %dot_general3A_209 = arith.constant dense<0.000000e+00> : vector<256x768xf32>
        %dot_general3A_210 = tpu.matmul %mul3A_203, %get3A_208, %dot_general3A_209 {dimension_numbers = #tpu.dot_dimension_numbers<[1], [0], [0], [1], [0, 0, 1, 1], [], []>, transpose_lhs_hint = false} : vector<256x768xf32>, vector<768x768xf32>, vector<256x768xf32> -> vector<256x768xf32>
        %get3A_211 = arith.index_cast %get3A_1 : i32 to index
        %get3A_212 = arith.constant 0 : index
        %get3A_213 = vector.load %arg16[%get3A_211, %get3A_212] : memref<16x768xf32, #tpu.memory_space<vmem>>, vector<1x768xf32>
        %get3A_214 = vector.shape_cast %get3A_213 : vector<1x768xf32> to vector<768xf32>
        %broadcast_in_dim3A_215 = vector.shape_cast %get3A_214 : vector<768xf32> to vector<1x768xf32>
        %add3A_216 = vector.broadcast %broadcast_in_dim3A_215 : vector<1x768xf32> to vector<256x768xf32>
        %add3A_217 = arith.addf %dot_general3A_210, %add3A_216 : vector<256x768xf32>
        %swap3A = arith.constant 1 : index
        %swap3A_218 = arith.constant 0 : index
        %swap3A_219 = arith.constant 0 : index
        %swap3A_220 = vector.load %arg14[%swap3A, %swap3A_218, %swap3A_219] : memref<3x256x768xf32, #tpu.memory_space<vmem>>, vector<1x256x768xf32>
        %swap3A_221 = vector.shape_cast %swap3A_220 : vector<1x256x768xf32> to vector<256x768xf32>
        %swap3A_222 = vector.shape_cast %add3A_217 : vector<256x768xf32> to vector<1x256x768xf32>
        tpu.vector_store %arg14[%swap3A, %swap3A_218, %swap3A_219], %swap3A_222 {strides = array<i32>} : memref<3x256x768xf32, #tpu.memory_space<vmem>>, vector<1x256x768xf32>,
      } else {
      }
      %eq3A_174 = arith.constant 2 : i32
      %eq3A_175 = arith.cmpi eq, %rem3A_95, %eq3A_174 : i32
      %convert_element_type3A_176 = arith.extui %eq3A_175 : i1 to i32
      %cond3A_177 = arith.constant 0 : i32
      %cond3A_178 = arith.cmpi ne, %convert_element_type3A_176, %cond3A_177 : i32
      scf.if %cond3A_178 {
        %get3A_179 = arith.constant 2 : index
        %get3A_180 = arith.constant 0 : index
        %get3A_181 = arith.constant 0 : index
        %get3A_182 = vector.load %arg13[%get3A_179, %get3A_180, %get3A_181] : memref<3x256x768xf32, #tpu.memory_space<vmem>>, vector<1x256x768xf32>
        %get3A_183 = vector.shape_cast %get3A_182 : vector<1x256x768xf32> to vector<256x768xf32>
        %get3A_184 = arith.index_cast %get3A_7 : i32 to index
        %get3A_185 = arith.constant 0 : index
        %get3A_186 = arith.constant 0 : index
        %get3A_187 = vector.load %arg8[%get3A_184, %get3A_185, %get3A_186] : memref<3x768x768xf32, #tpu.memory_space<vmem>>, vector<1x768x768xf32>
        %get3A_188 = vector.shape_cast %get3A_187 : vector<1x768x768xf32> to vector<768x768xf32>
        %dot_general3A = arith.constant dense<0.000000e+00> : vector<256x768xf32>
        %dot_general3A_189 = tpu.matmul %get3A_183, %get3A_188, %dot_general3A {dimension_numbers = #tpu.dot_dimension_numbers<[1], [0], [0], [1], [0, 0, 1, 1], [], []>, transpose_lhs_hint = false} : vector<256x768xf32>, vector<768x768xf32>, vector<256x768xf32> -> vector<256x768xf32>
        %get3A_190 = arith.index_cast %get3A_1 : i32 to index
        %get3A_191 = arith.constant 0 : index
        %get3A_192 = vector.load %arg15[%get3A_190, %get3A_191] : memref<16x768xf32, #tpu.memory_space<vmem>>, vector<1x768xf32>
        %get3A_193 = vector.shape_cast %get3A_192 : vector<1x768xf32> to vector<768xf32>
        %broadcast_in_dim3A = vector.shape_cast %get3A_193 : vector<768xf32> to vector<1x768xf32>
        %add3A = vector.broadcast %broadcast_in_dim3A : vector<1x768xf32> to vector<256x768xf32>
        %add3A_194 = arith.addf %dot_general3A_189, %add3A : vector<256x768xf32>
        %mul3A = arith.constant 5.000000e-01 : f32
        %mul3A_195 = vector.broadcast %mul3A : f32 to vector<256x768xf32>
        %mul3A_196 = arith.mulf %mul3A_195, %add3A_194 : vector<256x768xf32>
        %mul3A_197 = arith.constant 0.707106769 : f32
        %mul3A_198 = vector.broadcast %mul3A_197 : f32 to vector<256x768xf32>
        %mul3A_199 = arith.mulf %add3A_194, %mul3A_198 : vector<256x768xf32>
        %erf3A = math.erf %mul3A_199 : vector<256x768xf32>
        %add3A_200 = arith.constant 1.000000e+00 : f32
        %add3A_201 = vector.broadcast %add3A_200 : f32 to vector<256x768xf32>
        %add3A_202 = arith.addf %add3A_201, %erf3A : vector<256x768xf32>
        %mul3A_203 = arith.mulf %mul3A_196, %add3A_202 : vector<256x768xf32>
        %get3A_204 = arith.index_cast %get3A_7 : i32 to index
        %get3A_205 = arith.constant 0 : index
        %get3A_206 = arith.constant 0 : index
        %get3A_207 = vector.load %arg9[%get3A_204, %get3A_205, %get3A_206] : memref<3x768x768xf32, #tpu.memory_space<vmem>>, vector<1x768x768xf32>
        %get3A_208 = vector.shape_cast %get3A_207 : vector<1x768x768xf32> to vector<768x768xf32>
        %dot_general3A_209 = arith.constant dense<0.000000e+00> : vector<256x768xf32>
        %dot_general3A_210 = tpu.matmul %mul3A_203, %get3A_208, %dot_general3A_209 {dimension_numbers = #tpu.dot_dimension_numbers<[1], [0], [0], [1], [0, 0, 1, 1], [], []>, transpose_lhs_hint = false} : vector<256x768xf32>, vector<768x768xf32>, vector<256x768xf32> -> vector<256x768xf32>
        %get3A_211 = arith.index_cast %get3A_1 : i32 to index
        %get3A_212 = arith.constant 0 : index
        %get3A_213 = vector.load %arg16[%get3A_211, %get3A_212] : memref<16x768xf32, #tpu.memory_space<vmem>>, vector<1x768xf32>
        %get3A_214 = vector.shape_cast %get3A_213 : vector<1x768xf32> to vector<768xf32>
        %broadcast_in_dim3A_215 = vector.shape_cast %get3A_214 : vector<768xf32> to vector<1x768xf32>
        %add3A_216 = vector.broadcast %broadcast_in_dim3A_215 : vector<1x768xf32> to vector<256x768xf32>
        %add3A_217 = arith.addf %dot_general3A_210, %add3A_216 : vector<256x768xf32>
        %swap3A = arith.constant 2 : index
        %swap3A_218 = arith.constant 0 : index
        %swap3A_219 = arith.constant 0 : index
        %swap3A_220 = vector.load %arg14[%swap3A, %swap3A_218, %swap3A_219] : memref<3x256x768xf32, #tpu.memory_space<vmem>>, vector<1x256x768xf32>
        %swap3A_221 = vector.shape_cast %swap3A_220 : vector<1x256x768xf32> to vector<256x768xf32>
        %swap3A_222 = vector.shape_cast %add3A_217 : vector<256x768xf32> to vector<1x256x768xf32>
        tpu.vector_store %arg14[%swap3A, %swap3A_218, %swap3A_219], %swap3A_222 {strides = array<i32>} : memref<3x256x768xf32, #tpu.memory_space<vmem>>, vector<1x256x768xf32>,
      } else {
      }
    } else {
    }
    %eq3A_131 = arith.constant 0 : i32
    %eq3A_132 = arith.cmpi eq, %rem3A_95, %eq3A_131 : i32
    %eq3A_133 = arith.constant 1 : i32
    %eq3A_134 = arith.cmpi eq, %get3A_98, %eq3A_133 : i32
    %and3A_135 = arith.andi %eq3A_132, %eq3A_134 : i1
    %convert_element_type3A_136 = arith.extui %and3A_135 : i1 to i32
    %cond3A_137 = arith.constant 0 : i32
    %cond3A_138 = arith.cmpi ne, %convert_element_type3A_136, %cond3A_137 : i32
    scf.if %cond3A_138 {
      %mul3A = arith.constant 256 : i32
      %mul3A_164 = arith.muli %arg0, %mul3A : i32
      %dma_start3A = arith.constant 0 : i32
      %dma_start3A_165 = arith.constant 0 : i32
      %dma_start3A_166 = tpu.memref_slice %arg7[%mul3A_164, %dma_start3A_165] : memref<6144x768xf32, #tpu.memory_space<any>> -> memref<256x768xf32, #tpu.memory_space<any>>
      %dma_start3A_167 = arith.constant 0 : i32
      %dma_start3A_168 = arith.constant 0 : i32
      %dma_start3A_169 = tpu.memref_slice %arg14[%dma_start3A, %dma_start3A_167, %dma_start3A_168] : memref<3x256x768xf32, #tpu.memory_space<vmem>> -> memref<1x256x768xf32, #tpu.memory_space<vmem>>
      %dma_start3A_170 = tpu.memref_squeeze %dma_start3A_169 : memref<1x256x768xf32, #tpu.memory_space<vmem>> -> memref<256x768xf32, #tpu.memory_space<vmem>>
      tpu.enqueue_dma source(%dma_start3A_170 : memref<256x768xf32, #tpu.memory_space<vmem>>) target(%dma_start3A_166 : memref<256x768xf32, #tpu.memory_space<any>>) target_semaphore(%arg20 : memref<!tpu.dma_semaphore, #tpu.memory_space<semaphore_mem>>)
    } else {
    }
    %eq3A_139 = arith.constant 1 : i32
    %eq3A_140 = arith.cmpi eq, %rem3A_95, %eq3A_139 : i32
    %eq3A_141 = arith.constant 1 : i32
    %eq3A_142 = arith.cmpi eq, %get3A_98, %eq3A_141 : i32
    %and3A_143 = arith.andi %eq3A_140, %eq3A_142 : i1
    %convert_element_type3A_144 = arith.extui %and3A_143 : i1 to i32
    %cond3A_145 = arith.constant 0 : i32
    %cond3A_146 = arith.cmpi ne, %convert_element_type3A_144, %cond3A_145 : i32
    scf.if %cond3A_146 {
      %mul3A = arith.constant 256 : i32
      %mul3A_164 = arith.muli %arg0, %mul3A : i32
      %dma_start3A = arith.constant 1 : i32
      %dma_start3A_165 = arith.constant 0 : i32
      %dma_start3A_166 = tpu.memref_slice %arg7[%mul3A_164, %dma_start3A_165] : memref<6144x768xf32, #tpu.memory_space<any>> -> memref<256x768xf32, #tpu.memory_space<any>>
      %dma_start3A_167 = arith.constant 0 : i32
      %dma_start3A_168 = arith.constant 0 : i32
      %dma_start3A_169 = tpu.memref_slice %arg14[%dma_start3A, %dma_start3A_167, %dma_start3A_168] : memref<3x256x768xf32, #tpu.memory_space<vmem>> -> memref<1x256x768xf32, #tpu.memory_space<vmem>>
      %dma_start3A_170 = tpu.memref_squeeze %dma_start3A_169 : memref<1x256x768xf32, #tpu.memory_space<vmem>> -> memref<256x768xf32, #tpu.memory_space<vmem>>
      tpu.enqueue_dma source(%dma_start3A_170 : memref<256x768xf32, #tpu.memory_space<vmem>>) target(%dma_start3A_166 : memref<256x768xf32, #tpu.memory_space<any>>) target_semaphore(%arg21 : memref<!tpu.dma_semaphore, #tpu.memory_space<semaphore_mem>>)
    } else {
    }
    %eq3A_147 = arith.constant 2 : i32
    %eq3A_148 = arith.cmpi eq, %rem3A_95, %eq3A_147 : i32
    %eq3A_149 = arith.constant 1 : i32
    %eq3A_150 = arith.cmpi eq, %get3A_98, %eq3A_149 : i32
    %and3A_151 = arith.andi %eq3A_148, %eq3A_150 : i1
    %convert_element_type3A_152 = arith.extui %and3A_151 : i1 to i32
    %cond3A_153 = arith.constant 0 : i32
    %cond3A_154 = arith.cmpi ne, %convert_element_type3A_152, %cond3A_153 : i32
    scf.if %cond3A_154 {
      %mul3A = arith.constant 256 : i32
      %mul3A_164 = arith.muli %arg0, %mul3A : i32
      %dma_start3A = arith.constant 2 : i32
      %dma_start3A_165 = arith.constant 0 : i32
      %dma_start3A_166 = tpu.memref_slice %arg7[%mul3A_164, %dma_start3A_165] : memref<6144x768xf32, #tpu.memory_space<any>> -> memref<256x768xf32, #tpu.memory_space<any>>
      %dma_start3A_167 = arith.constant 0 : i32
      %dma_start3A_168 = arith.constant 0 : i32
      %dma_start3A_169 = tpu.memref_slice %arg14[%dma_start3A, %dma_start3A_167, %dma_start3A_168] : memref<3x256x768xf32, #tpu.memory_space<vmem>> -> memref<1x256x768xf32, #tpu.memory_space<vmem>>
      %dma_start3A_170 = tpu.memref_squeeze %dma_start3A_169 : memref<1x256x768xf32, #tpu.memory_space<vmem>> -> memref<256x768xf32, #tpu.memory_space<vmem>>
      tpu.enqueue_dma source(%dma_start3A_170 : memref<256x768xf32, #tpu.memory_space<vmem>>) target(%dma_start3A_166 : memref<256x768xf32, #tpu.memory_space<any>>) target_semaphore(%arg22 : memref<!tpu.dma_semaphore, #tpu.memory_space<semaphore_mem>>)
    } else {
    }
    %ge3A = arith.constant 2 : i32
    %ge3A_155 = arith.cmpi sge, %arg0, %ge3A : i32
    %convert_element_type3A_156 = arith.extui %ge3A_155 : i1 to i32
    %cond3A_157 = arith.constant 0 : i32
    %cond3A_158 = arith.cmpi ne, %convert_element_type3A_156, %cond3A_157 : i32
    scf.if %cond3A_158 {
      %sub3A = arith.constant 2 : i32
      %sub3A_164 = arith.subi %arg0, %sub3A : i32
      %rem3A_165 = arith.constant 3 : i32
      %rem3A_166 = arith.remsi %sub3A_164, %rem3A_165 : i32
      %eq3A_167 = arith.constant 0 : i32
      %eq3A_168 = arith.cmpi eq, %rem3A_166, %eq3A_167 : i32
      %sub3A_169 = arith.constant 2 : i32
      %sub3A_170 = arith.subi %arg0, %sub3A_169 : i32
      %get3A_171 = arith.index_cast %sub3A_170 : i32 to index
      %get3A_172 = arith.constant 7 : index
      %get3A_173 = memref.load %arg1[%get3A_171, %get3A_172] : memref<24x8xi32, #tpu.memory_space<smem>>
      %eq3A_174 = arith.constant 1 : i32
      %eq3A_175 = arith.cmpi eq, %get3A_173, %eq3A_174 : i32
      %and3A_176 = arith.andi %eq3A_168, %eq3A_175 : i1
      %convert_element_type3A_177 = arith.extui %and3A_176 : i1 to i32
      %cond3A_178 = arith.constant 0 : i32
      %cond3A_179 = arith.cmpi ne, %convert_element_type3A_177, %cond3A_178 : i32
      scf.if %cond3A_179 {
        %sub3A_214 = arith.constant 2 : i32
        %sub3A_215 = arith.subi %arg0, %sub3A_214 : i32
        %mul3A = arith.constant 256 : i32
        %mul3A_216 = arith.muli %sub3A_215, %mul3A : i32
        %dma_wait3A = arith.constant 0 : i32
        %dma_wait3A_217 = arith.constant 0 : i32
        %dma_wait3A_218 = tpu.memref_slice %arg7[%mul3A_216, %dma_wait3A_217] : memref<6144x768xf32, #tpu.memory_space<any>> -> memref<256x768xf32, #tpu.memory_space<any>>
        %dma_wait3A_219 = arith.constant 0 : i32
        %dma_wait3A_220 = arith.constant 0 : i32
        %dma_wait3A_221 = tpu.memref_slice %arg14[%dma_wait3A, %dma_wait3A_219, %dma_wait3A_220] : memref<3x256x768xf32, #tpu.memory_space<vmem>> -> memref<1x256x768xf32, #tpu.memory_space<vmem>>
        %dma_wait3A_222 = tpu.memref_squeeze %dma_wait3A_221 : memref<1x256x768xf32, #tpu.memory_space<vmem>> -> memref<256x768xf32, #tpu.memory_space<vmem>>
        tpu.wait_dma2 semaphore(%arg20 : memref<!tpu.dma_semaphore, #tpu.memory_space<semaphore_mem>>) src(%dma_wait3A_222 : memref<256x768xf32, #tpu.memory_space<vmem>>) dst(%dma_wait3A_218 : memref<256x768xf32, #tpu.memory_space<any>>)
      } else {
      }
      %sub3A_180 = arith.constant 2 : i32
      %sub3A_181 = arith.subi %arg0, %sub3A_180 : i32
      %rem3A_182 = arith.constant 3 : i32
      %rem3A_183 = arith.remsi %sub3A_181, %rem3A_182 : i32
      %eq3A_184 = arith.constant 1 : i32
      %eq3A_185 = arith.cmpi eq, %rem3A_183, %eq3A_184 : i32
      %sub3A_186 = arith.constant 2 : i32
      %sub3A_187 = arith.subi %arg0, %sub3A_186 : i32
      %get3A_188 = arith.index_cast %sub3A_187 : i32 to index
      %get3A_189 = arith.constant 7 : index
      %get3A_190 = memref.load %arg1[%get3A_188, %get3A_189] : memref<24x8xi32, #tpu.memory_space<smem>>
      %eq3A_191 = arith.constant 1 : i32
      %eq3A_192 = arith.cmpi eq, %get3A_190, %eq3A_191 : i32
      %and3A_193 = arith.andi %eq3A_185, %eq3A_192 : i1
      %convert_element_type3A_194 = arith.extui %and3A_193 : i1 to i32
      %cond3A_195 = arith.constant 0 : i32
      %cond3A_196 = arith.cmpi ne, %convert_element_type3A_194, %cond3A_195 : i32
      scf.if %cond3A_196 {
        %sub3A_214 = arith.constant 2 : i32
        %sub3A_215 = arith.subi %arg0, %sub3A_214 : i32
        %mul3A = arith.constant 256 : i32
        %mul3A_216 = arith.muli %sub3A_215, %mul3A : i32
        %dma_wait3A = arith.constant 1 : i32
        %dma_wait3A_217 = arith.constant 0 : i32
        %dma_wait3A_218 = tpu.memref_slice %arg7[%mul3A_216, %dma_wait3A_217] : memref<6144x768xf32, #tpu.memory_space<any>> -> memref<256x768xf32, #tpu.memory_space<any>>
        %dma_wait3A_219 = arith.constant 0 : i32
        %dma_wait3A_220 = arith.constant 0 : i32
        %dma_wait3A_221 = tpu.memref_slice %arg14[%dma_wait3A, %dma_wait3A_219, %dma_wait3A_220] : memref<3x256x768xf32, #tpu.memory_space<vmem>> -> memref<1x256x768xf32, #tpu.memory_space<vmem>>
        %dma_wait3A_222 = tpu.memref_squeeze %dma_wait3A_221 : memref<1x256x768xf32, #tpu.memory_space<vmem>> -> memref<256x768xf32, #tpu.memory_space<vmem>>
        tpu.wait_dma2 semaphore(%arg21 : memref<!tpu.dma_semaphore, #tpu.memory_space<semaphore_mem>>) src(%dma_wait3A_222 : memref<256x768xf32, #tpu.memory_space<vmem>>) dst(%dma_wait3A_218 : memref<256x768xf32, #tpu.memory_space<any>>)
      } else {
      }
      %sub3A_197 = arith.constant 2 : i32
      %sub3A_198 = arith.subi %arg0, %sub3A_197 : i32
      %rem3A_199 = arith.constant 3 : i32
      %rem3A_200 = arith.remsi %sub3A_198, %rem3A_199 : i32
      %eq3A_201 = arith.constant 2 : i32
      %eq3A_202 = arith.cmpi eq, %rem3A_200, %eq3A_201 : i32
      %sub3A_203 = arith.constant 2 : i32
      %sub3A_204 = arith.subi %arg0, %sub3A_203 : i32
      %get3A_205 = arith.index_cast %sub3A_204 : i32 to index
      %get3A_206 = arith.constant 7 : index
      %get3A_207 = memref.load %arg1[%get3A_205, %get3A_206] : memref<24x8xi32, #tpu.memory_space<smem>>
      %eq3A_208 = arith.constant 1 : i32
      %eq3A_209 = arith.cmpi eq, %get3A_207, %eq3A_208 : i32
      %and3A_210 = arith.andi %eq3A_202, %eq3A_209 : i1
      %convert_element_type3A_211 = arith.extui %and3A_210 : i1 to i32
      %cond3A_212 = arith.constant 0 : i32
      %cond3A_213 = arith.cmpi ne, %convert_element_type3A_211, %cond3A_212 : i32
      scf.if %cond3A_213 {
        %sub3A_214 = arith.constant 2 : i32
        %sub3A_215 = arith.subi %arg0, %sub3A_214 : i32
        %mul3A = arith.constant 256 : i32
        %mul3A_216 = arith.muli %sub3A_215, %mul3A : i32
        %dma_wait3A = arith.constant 2 : i32
        %dma_wait3A_217 = arith.constant 0 : i32
        %dma_wait3A_218 = tpu.memref_slice %arg7[%mul3A_216, %dma_wait3A_217] : memref<6144x768xf32, #tpu.memory_space<any>> -> memref<256x768xf32, #tpu.memory_space<any>>
        %dma_wait3A_219 = arith.constant 0 : i32
        %dma_wait3A_220 = arith.constant 0 : i32
        %dma_wait3A_221 = tpu.memref_slice %arg14[%dma_wait3A, %dma_wait3A_219, %dma_wait3A_220] : memref<3x256x768xf32, #tpu.memory_space<vmem>> -> memref<1x256x768xf32, #tpu.memory_space<vmem>>
        %dma_wait3A_222 = tpu.memref_squeeze %dma_wait3A_221 : memref<1x256x768xf32, #tpu.memory_space<vmem>> -> memref<256x768xf32, #tpu.memory_space<vmem>>
        tpu.wait_dma2 semaphore(%arg22 : memref<!tpu.dma_semaphore, #tpu.memory_space<semaphore_mem>>) src(%dma_wait3A_222 : memref<256x768xf32, #tpu.memory_space<vmem>>) dst(%dma_wait3A_218 : memref<256x768xf32, #tpu.memory_space<any>>)
      } else {
      }
    } else {
    }
    %eq3A_159 = arith.constant 23 : i32
    %eq3A_160 = arith.cmpi eq, %arg0, %eq3A_159 : i32
    %convert_element_type3A_161 = arith.extui %eq3A_160 : i1 to i32
    %cond3A_162 = arith.constant 0 : i32
    %cond3A_163 = arith.cmpi ne, %convert_element_type3A_161, %cond3A_162 : i32
    scf.if %cond3A_163 {
      %get3A_164 = arith.constant 22 : index
      %get3A_165 = arith.constant 7 : index
      %get3A_166 = memref.load %arg1[%get3A_164, %get3A_165] : memref<24x8xi32, #tpu.memory_space<smem>>
      %eq3A_167 = arith.constant 1 : i32
      %eq3A_168 = arith.cmpi eq, %get3A_166, %eq3A_167 : i32
      %convert_element_type3A_169 = arith.extui %eq3A_168 : i1 to i32
      %cond3A_170 = arith.constant 0 : i32
      %cond3A_171 = arith.cmpi ne, %convert_element_type3A_169, %cond3A_170 : i32
      scf.if %cond3A_171 {
        %dma_wait3A = arith.constant 1 : i32
        %dma_wait3A_180 = arith.constant 5632 : i32
        %dma_wait3A_181 = arith.constant 0 : i32
        %dma_wait3A_182 = tpu.memref_slice %arg7[%dma_wait3A_180, %dma_wait3A_181] : memref<6144x768xf32, #tpu.memory_space<any>> -> memref<256x768xf32, #tpu.memory_space<any>>
        %dma_wait3A_183 = arith.constant 0 : i32
        %dma_wait3A_184 = arith.constant 0 : i32
        %dma_wait3A_185 = tpu.memref_slice %arg14[%dma_wait3A, %dma_wait3A_183, %dma_wait3A_184] : memref<3x256x768xf32, #tpu.memory_space<vmem>> -> memref<1x256x768xf32, #tpu.memory_space<vmem>>
        %dma_wait3A_186 = tpu.memref_squeeze %dma_wait3A_185 : memref<1x256x768xf32, #tpu.memory_space<vmem>> -> memref<256x768xf32, #tpu.memory_space<vmem>>
        tpu.wait_dma2 semaphore(%arg21 : memref<!tpu.dma_semaphore, #tpu.memory_space<semaphore_mem>>) src(%dma_wait3A_186 : memref<256x768xf32, #tpu.memory_space<vmem>>) dst(%dma_wait3A_182 : memref<256x768xf32, #tpu.memory_space<any>>)
      } else {
      }
      %get3A_172 = arith.constant 23 : index
      %get3A_173 = arith.constant 7 : index
      %get3A_174 = memref.load %arg1[%get3A_172, %get3A_173] : memref<24x8xi32, #tpu.memory_space<smem>>
      %eq3A_175 = arith.constant 1 : i32
      %eq3A_176 = arith.cmpi eq, %get3A_174, %eq3A_175 : i32
      %convert_element_type3A_177 = arith.extui %eq3A_176 : i1 to i32
      %cond3A_178 = arith.constant 0 : i32
      %cond3A_179 = arith.cmpi ne, %convert_element_type3A_177, %cond3A_178 : i32
      scf.if %cond3A_179 {
        %dma_wait3A = arith.constant 2 : i32
        %dma_wait3A_180 = arith.constant 5888 : i32
        %dma_wait3A_181 = arith.constant 0 : i32
        %dma_wait3A_182 = tpu.memref_slice %arg7[%dma_wait3A_180, %dma_wait3A_181] : memref<6144x768xf32, #tpu.memory_space<any>> -> memref<256x768xf32, #tpu.memory_space<any>>
        %dma_wait3A_183 = arith.constant 0 : i32
        %dma_wait3A_184 = arith.constant 0 : i32
        %dma_wait3A_185 = tpu.memref_slice %arg14[%dma_wait3A, %dma_wait3A_183, %dma_wait3A_184] : memref<3x256x768xf32, #tpu.memory_space<vmem>> -> memref<1x256x768xf32, #tpu.memory_space<vmem>>
        %dma_wait3A_186 = tpu.memref_squeeze %dma_wait3A_185 : memref<1x256x768xf32, #tpu.memory_space<vmem>> -> memref<256x768xf32, #tpu.memory_space<vmem>>
        tpu.wait_dma2 semaphore(%arg22 : memref<!tpu.dma_semaphore, #tpu.memory_space<semaphore_mem>>) src(%dma_wait3A_186 : memref<256x768xf32, #tpu.memory_space<vmem>>) dst(%dma_wait3A_182 : memref<256x768xf32, #tpu.memory_space<any>>)
      } else {
      }
    } else {
    }
    return
  }
}

</mosaic_0001>

<sc_bundles>
// kernel: kernel.6.cloned.1.call-start
scs
__scs_entry_jumppad:
0x0: {  	(pc) =	sbr.rel $0x88, $3  }
0x1: {  	(tag) =	ssettag $0x0;
	lr =	simm.s32 $0x1  }
0x2: {  	[smem:$0x3F9A] =	sst lr;
	_ =	strace $0xD0000000  }
0x3: {  	_ = 	snop  }
0x4: {  	_ = 	snop  }
0x5: {  	_ = 	snop  }
0x6: {  	_ = 	snop  }
0x7: {  	_ = 	snop  }
__scs_overlays_trampoline_lowered:
0x8: {  	[smem:$0x3FA9] =	sst s0  }
0x9: {  	[smem:$0x3FAA] =	sst s1  }
0xa: {  	[smem:$0x3FAB] =	sst s2  }
0xb: {  	[smem:$0x3FAC] =	sst s3  }
0xc: {  	[smem:$0x3FAD] =	sst s4  }
0xd: {  	[smem:$0x3FAE] =	sst s5  }
0xe: {  	[smem:$0x3FAF] =	sst s6  }
0xf: {  	[smem:$0x3FB0] =	sst s7  }
0x10: {  	[smem:$0x3FB1] =	sst s8  }
0x11: {  	[smem:$0x3FB2] =	sst s9;
	s0 =	simm.s32 @!p0 $0x0  }
0x12: {  	s1 =	sld [smem:$0x3F98];
	s0 =	simm.s32 @p0 $0x1  }
0x13: {  	[smem:$0x3FB3] =	sst s0;
	s0 =	simm.s32 @!p1 $0x0  }
0x14: {  	s2 =	sld [smem:$0x3F97];
	s0 =	simm.s32 @p1 $0x1  }
0x15: {  	[smem:$0x3FB4] =	sst s0;
	s0 =	simm.s32 @!p2 $0x0  }
0x16: {  	s3 =	sld [smem:$0x3FDB];
	s0 =	simm.s32 @p2 $0x1  }
0x17: {  	s4 =	simm.s32 $0x1BF5;
	[smem:$0x3FB6] =	sst s0  }
0x18: {  	s0 =	sld [smem:$0x3F99];
	_ =	swait.ge [sflag:s4], $0x0  }
0x19: {  	s7 =	sld [smem:$0x3F9A]  }
0x1a: {  	s8 =	sadd.s32 $0xFFFFE003, lr  }
0x1b: {  	s9 =	sadd.s32 $0xFFFFFEF7, lr;
	s5 =	simm.s32 $0xFFFFFFFF;
	p2 =	slt.u32 s8, $0xFFFFF086  }
0x1c: {  	p1 =	slt.u32 s9, $0xF7A;
	s5 =	simm.s32 @!p2 $0x0  }
0x1d: {  	s5 =	simm.s32 @p1 $0x1;
	p0 =	seq.s32 s7, s2  }
0x1e: {  	s7 =	smul.u32 @!p0 $0xF7A, s2;
	p2 =	seq.s32 @!p0 s5, $0x0  }
0x1f: {  	s9 =	smul.u32 $0xF7A, s1;
	s8 =	simm.s32 @!p0 $0x1BF5;
	p2 =	por !p2, p0  }
0x20: {  	[sflag:s8] =	ssyncset.s32 @!p0 $0xFFFFF086;
	s6 =	sadd.s32 @!p0 s3, s7;
	s7 =	simm.s32 @!p0 $0x108  }
0x21: {  	s3 =	sadd.s32 s3, s9;
	s6 =	sadd.s32 @!p0 $0x88, s6;
	s7 =	simm.s32 @p2 $0x1082  }
0x22: {  	[simem:s7], [sflag:s8] =	dma.local @!p0 [hbm:s6], $0xF7A  }
0x23: {  	s9 =	sor.u32 $0xD0000000, s2;
	s6 =	simm.s32 $0x108;
	_ =	swait.ge @!p0 [sflag:s8], $0x0  }
0x24: {  	s3 =	sadd.s32 $0x88, s3;
	s6 =	simm.s32 @!p1 $0x1082;
	[sflag:s4] =	ssyncset.s32 $0xFFFFF086  }
0x25: {  	[simem:s6], [sflag:s4] =	dma.local [hbm:s3], $0xF7A  }
0x26: {  	[smem:$0x3F9A] =	sst s1;
	(tag) =	ssettag s2;
	_ =	strace s9  }
0x27: {  	s1 =	sld [smem:$0x3FAA]  }
0x28: {  	s2 =	sld [smem:$0x3FAB]  }
0x29: {  	s4 =	sld [smem:$0x3FAD]  }
0x2a: {  	p0 =	seq.s32 s5, $0x0;
	s5 =	sld [smem:$0x3FAE]  }
0x2b: {  	s6 =	sld [smem:$0x3FAF]  }
0x2c: {  	s7 =	sld [smem:$0x3FB0]  }
0x2d: {  	s3 =	simm.s32 $0x108;
	s8 =	sld [smem:$0x3FB1]  }
0x2e: {  	s3 =	simm.s32 @!p0 $0x1082;
	s9 =	sld [smem:$0x3FB2]  }
0x2f: {  	lr =	sadd.s32 s0, s3;
	s0 =	sld [smem:$0x3FA9]  }
0x30: {  	s3 =	sld [smem:$0x3FAC]  }
0x31: {  	[smem:$0x3FB5] =	sst s10  }
0x32: {  	s10 =	sld [smem:$0x3FB3];
	_ =	sdelay $0x3  }
0x33: {  	p0 =	seq.s32 s10, $0x1;
	s10 =	sld [smem:$0x3FB5];
	_ =	sdelay $0x3  }
0x34: {  	[smem:$0x3FB5] =	sst s10  }
0x35: {  	s10 =	sld [smem:$0x3FB4];
	_ =	sdelay $0x3  }
0x36: {  	p1 =	seq.s32 s10, $0x1;
	s10 =	sld [smem:$0x3FB5];
	_ =	sdelay $0x3  }
0x37: {  	[smem:$0x3FB5] =	sst s10  }
0x38: {  	s10 =	sld [smem:$0x3FB6]  }
0x39: {  	_ = 	snop;
	(pc) =	sbr.ind lr, $3  }
0x3a: {  	_ = 	snop  }
0x3b: {  	_ = 	snop  }
0x3c: {  	p2 =	seq.s32 s10, $0x1;
	s10 =	sld [smem:$0x3FB5]  }
0x3d: {  	_ =	shalt  }
0x3e: {  	_ =	shalt  }
0x3f: {  	_ =	shalt  }
0x40: {  	_ =	shalt  }
0x41: {  	_ =	shalt  }
0x42: {  	_ =	shalt  }
0x43: {  	_ =	shalt  }
0x44: {  	_ =	shalt  }
0x45: {  	_ =	shalt  }
0x46: {  	_ =	shalt  }
0x47: {  	_ =	shalt  }
0x48: {  	_ =	shalt  }
0x49: {  	_ =	shalt  }
0x4a: {  	_ =	shalt  }
0x4b: {  	_ =	shalt  }
0x4c: {  	_ =	shalt  }
0x4d: {  	_ =	shalt  }
0x4e: {  	_ =	shalt  }
0x4f: {  	_ =	shalt  }
0x50: {  	_ =	shalt  }
0x51: {  	_ =	shalt  }
0x52: {  	_ =	shalt  }
0x53: {  	_ =	shalt  }
0x54: {  	_ =	shalt  }
0x55: {  	_ =	shalt  }
0x56: {  	_ =	shalt  }
0x57: {  	_ =	shalt  }
0x58: {  	_ =	shalt  }
0x59: {  	_ =	shalt  }
0x5a: {  	_ =	shalt  }
0x5b: {  	_ =	shalt  }
0x5c: {  	_ =	shalt  }
0x5d: {  	_ =	shalt  }
0x5e: {  	_ =	shalt  }
0x5f: {  	_ =	shalt  }
0x60: {  	_ =	shalt  }
0x61: {  	_ =	shalt  }
0x62: {  	_ =	shalt  }
0x63: {  	_ =	shalt  }
0x64: {  	_ =	shalt  }
0x65: {  	_ =	shalt  }
0x66: {  	_ =	shalt  }
0x67: {  	_ =	shalt  }
0x68: {  	_ =	shalt  }
0x69: {  	_ =	shalt  }
0x6a: {  	_ =	shalt  }
0x6b: {  	_ =	shalt  }
0x6c: {  	_ =	shalt  }
0x6d: {  	_ =	shalt  }
0x6e: {  	_ =	shalt  }
0x6f: {  	_ =	shalt  }
0x70: {  	_ =	shalt  }
0x71: {  	_ =	shalt  }
0x72: {  	_ =	shalt  }
0x73: {  	_ =	shalt  }
0x74: {  	_ =	shalt  }
0x75: {  	_ =	shalt  }
0x76: {  	_ =	shalt  }
0x77: {  	_ =	shalt  }
0x78: {  	_ =	shalt  }
0x79: {  	_ =	shalt  }
0x7a: {  	_ =	shalt  }
0x7b: {  	_ =	shalt  }
0x7c: {  	_ =	shalt  }
0x7d: {  	_ =	shalt  }
0x7e: {  	_ =	shalt  }
0x7f: {  	_ =	shalt  }
0x80: {  	_ =	shalt  }
0x81: {  	_ =	shalt  }
0x82: {  	_ =	shalt  }
0x83: {  	_ =	shalt  }
0x84: {  	_ =	shalt  }
0x85: {  	_ =	shalt  }
0x86: {  	_ =	shalt  }
0x87: {  	_ =	shalt  }
.Lfunc_end0:
.L_simem_size_0:
called_computation_lowered:
.L_overlay_start_0:
0x88: {  	s2 =	sld [smem:$0x3FD9]  }
0x89: {  	s3 =	sld [smem:$0x3FFE];
	_ =	sdelay $0x1  }
0x8a: {  	s1 =	srdreg.scid  }
0x8b: {  	s0 =	sand.u32 $0x1, s1  }
0x8c: {  	s17 =	sshll.u32 s0, $0xA;
	s2 =	sadd.s32 s3, s2  }
0x8d: {  	s2 =	sadd.s32 s2, s17  }
0x8e: {  	[smem:$0x3FC1] =	sst s2  }
0x8f: {  	_ = 	snop  }
0x90: {  	s2 =	sld [smem:$0x3FC9];
	(tm) =	ssettm $0x1  }
0x91: {  	s18 =	sld [smem:$0x3FFB];
	_ =	sdelay $0x3  }
0x92: {  	_ =	strace s18  }
0x93: {  	s3 =	sld [smem:$0x3FFC];
	_ =	sdelay $0x3  }
0x94: {  	_ =	strace s3  }
0x95: {  	s3 =	sld [smem:$0x3FFD];
	_ =	sdelay $0x3  }
0x96: {  	_ =	strace s3  }
0x97: {  	_ =	strace $0x8FFFFFFF  }
0x98: {  	s19 =	sld [smem:$0x3FDB];
	_ =	sdelay $0x1  }
0x99: {  	s4 =	simm.s32 $_scs_section_size  }
0x9a: {  	s5 =	simm.s32 $_size__tile_overlayer_lowered;
	s6 =	simm.s32 $_tile_overlayer_lowered  }
0x9b: {  	s22 =	simm.s32 $0x1BFF;
	s21 =	sshll.u32 s6, $0x1;
	s3 =	sadd.s32 s4, s19  }
0x9c: {  	s7 =	simm.s32 $0x0;
	s20 =	sshll.u32 s5, $0x1;
	s5 =	sadd.s32 s21, s3  }
0x9d: {  	[timem:s7], [sflag:s22] =	dma.local [hbm:s5], s20  }
0x9e: {  	_ =	swait.ge [sflag:s22], s20  }
0x9f: {  	s4 =	ssub.s32 $0x0, s20;
	[sflag:s22] =	ssyncset.done $0x0  }
0xa0: {  	[sflag:s22] =	ssyncadd.s32 s4;
	_ =	sdelay $0x1  }
0xa1: {  	s23 =	simm.s32 $0x1B8B  }
0xa2: {  	_ =	swait.ge [sflag:s23], $0x1  }
0xa3: {  	[sflag:s23] =	ssyncset.done $0x0  }
0xa4: {  	s25 =	simm.s32 $0x1B8E;
	s24 =	sld [smem:$0x3FFE];
	[sflag:s23] =	ssyncadd.s32 $0xFFFFFFFF  }
0xa5: {  	s26 =	simm.s32 $execute0_lowered;
	[smem:$0x3FD2] =	sst s25  }
0xa6: {  	s5 =	sshll.u32 s26, $0x1;
	_ =	strace $0x80000046;
	[dreg:$0x1] =	wrdreg $0xFFFFFFFF  }
0xa7: {  	s28 =	simm.s32 $_size_execute0_lowered;
	s3 =	sadd.s32 s3, s5;
	[dreg:$0x0] =	wrdreg $0x0  }
0xa8: {  	s5 =	sshll.u32 s28, $0x1;
	[dreg:$0x2] =	wrdreg s3  }
0xa9: {  	[dreg:$0x3] =	wrdreg s5  }
0xaa: {  	[dreg:$0x4] =	wrdreg $0xC0  }
0xab: {  	_ =	task [dreg:s7], $0x5FFFF  }
0xac: {  	[dreg:$0x1] =	wrdreg $0xFFFFFFFF  }
0xad: {  	[dreg:$0x0] =	wrdreg $0x60  }
0xae: {  	[dreg:$0x2] =	wrdreg s2  }
0xaf: {  	[dreg:$0x3] =	wrdreg s24  }
0xb0: {  	[dreg:$0x4] =	wrdreg $0x9  }
0xb1: {  	_ =	task.clear_ibuf [dreg:s7], $0x5FFFF;
	_ =	strace $0x90000046  }
0xb2: {  	s29 =	simm.s32 $0x9;
	_ =	strace $0x80000048  }
0xb3: {  	_ =	swait.ge [sflag:s29], $0x1  }
0xb4: {  	[sflag:s29] =	ssyncadd.s32 $0xFFFFFFFF  }
0xb5: {  	_ =	strace $0x90000048  }
0xb6: {  	_ =	sfence  }
0xb7: {  	s30 =	sld [smem:$0x0];
	_ =	sdelay $0x2  }
0xb8: {  	s31 =	sshll.u32 s1, $0xD;
	s1 =	sshrl.u32 s1, $0x2  }
0xb9: {  	s3 =	sand.u32 $0x4000, s31;
	s1 =	sadd.s32 s1, s30  }
0xba: {  	s0 =	sor.u32 s3, s0;
	s1 =	sshll.u32 s1, $0x11  }
0xbb: {  	s0 =	sor.u32 s1, s0  }
0xbc: {  	s0 =	sadd.s32 $0x8F2B, s0  }
0xbd: {  	[sflag:s0] =	ssyncadd.remote.s32 $0x1  }
0xbe: {  	_ =	sfence.sel $0xFFFF  }
0xbf: {  	[dreg:$0x0] =	wrdreg $0xFFFFFFFF;
	(pc) =	sbr.abs _section_cstart, $3  }
0xc0: {  	[dreg:$0x1] =	wrdreg $0xFFFFFFFF  }
0xc1: {  	_ =	task.clear_ibuf [dreg:s7], $0x2FFFF;
	_ =	strace $0x9FFFFFFF  }
0xc2: {  	(tm) =	ssettm $0x7FFFFFFF  }
0xc3: {  	_ =	shalt  }
tec
execute0_lowered:
.L_overlay_start_1:
0x0: {  	(tag) =	ssettag $0x1  }
0x1: {  	s1 =	srdreg.scid  }
0x2: {  	s3 =	rddreg [dreg:$0x0];
	s0 =	stileid.u32  }
0x3: {  	s5 =	rddreg [dreg:$0x1];
	s2 =	simm.s32 $0x0;
	s8 =	simm.s32 $0x80  }
0x4: {  	s26 =	simm.s32 $0x880;
	s9 =	simm.s32 $0x1080;
	s10 =	simm.s32 $0x1880  }
0x5: {  	s11 =	simm.s32 $0x2080;
	s12 =	simm.s32 $0x2880;
	s13 =	simm.s32 $0x3080  }
0x6: {  	s14 =	simm.s32 $0x3880;
	s15 =	simm.s32 $0x4080;
	s16 =	simm.s32 $0x4880  }
0x7: {  	s17 =	simm.s32 $0x5080;
	s18 =	simm.s32 $0x5880;
	s19 =	simm.s32 $0x6080  }
0x8: {  	s20 =	simm.s32 $0x6880;
	s21 =	simm.s32 $0x7080;
	s22 =	simm.s32 $0x7880  }
0x9: {  	s23 =	simm.s32 $0x8080;
	s24 =	simm.s32 $0x8880;
	s25 =	simm.s32 $0x9080  }
0xa: {  	s28 =	simm.s32 $0xA080;
	s29 =	simm.s32 $0xA880;
	s30 =	simm.s32 $0xB080  }
0xb: {  	s31 =	simm.s32 $0xB880;
	s1 =	sand.u32 $0x1, s1;
	[smem:$0x7FF] =	sst s2  }
0xc: {  	s4 =	sshll.u32 s0, $0x4;
	s6 =	sshll.u32 s1, $0x3;
	_ =	strace $0x80000047  }
0xd: {  	s1 =	ssub.s32 $0x2, s1;
	[dreg:$0x5] =	wrdreg s26;
	s4 =	sor.u32 s6, s4  }
0xe: {  	s7 =	sshrl.u32 s1, $0x1;
	s6 =	sadd.s32 s4, s5;
	s4 =	smul.u32 $0x300, s4  }
0xf: {  	s26 =	simm.s32 $0x9880;
	s1 =	ssub.s32 s1, s7;
	s6 =	sadd.s32 $0x1800, s6  }
0x10: {  	v2 =	vlaneseq.u32;
	s7 =	simm.s32 $0x2;
	[dreg:$0x3] =	wrdreg s6;
	s4 =	sadd.s32 s3, s4  }
0x11: {  	vm0 =	vmmov $0xffff;
	v1 =	vshrl.u32 v2, $0x3;
	s3 =	sadd.s32 $0x1A00, s5;
	s6 =	smax.u32 s1, $0x1;
	s1 =	simm.s32 $0x1  }
0x12: {  	v0 =	vand.u32 $0x7, v2;
	v2 =	vor.u32 $0x8, v2;
	v1 =	vmul.u32 $0x8, v1;
	[dreg:$0x4] =	wrdreg s4;
	s4 =	sadd.s32 $0x1B00, s5;
	s5 =	sadd.s32 $0x1C00, s5  }
.LBB2_1:
0x13: {  	s0 =	rddreg [dreg:$0x3]  }
0x14: {  	[tilespmem:s2], [sflag:$0x2] =	stream.linear.gather [hbm4b:s0+s2], $0x40, $0x38;
	[tilespmem:$0xC080] =	vst v63  }
0x15: {  	_ =	swait.ge [sflag:s7], $0x40  }
0x16: {  	[sflag:s7] =	ssyncset.done $0x0  }
0x17: {  	s0 =	rddreg [dreg:$0x4];
	[sflag:s7] =	ssyncadd.s32 $0xFFFFFFC0  }
0x18: {  	[tilespmem:s8], [sflag:$0x2] =	stream.linear.gather [hbm4b:s0+s2], $0xC000, $0x38;
	[tilespmem:$0xC080] =	vst v63  }
0x19: {  	_ =	swait.ge [sflag:s7], $0xC000  }
0x1a: {  	[sflag:s7] =	ssyncset.done $0x0  }
0x1b: {  	[sflag:s7] =	ssyncadd.s32 $0xFFFF4000  }
0x1c: {  	v3 =	vld [tilespmem:$0x0];
	_ =	sdelay $0x4  }
0x1d: {  	v4 =	vshrl.u32 v3, $0x3  }
0x1e: {  	v4 =	vmul.u32 $0x30, v4  }
0x1f: {  	v3 =	vand.u32 $0x7, v3  }
0x20: {  	v3 =	vor.u32 v3, v4  }
0x21: {  	v4 =	vperm.xlane v3, v0;
	_ =	sdelay $0x1  }
0x22: {  	v4 =	vadd.s32 v1, v4;
	_ =	sdelay $0x3  }
0x23: {  	v3 =	vperm.xlane v3, v2  }
0x24: {  	[hbm4b:s3+s2] =	stream.indirect_vreg.scatter [tilespmem:s8], [sflag:$0x1], $0x80, v4, vm0, $0xb8;
	[tilespmem:$0xC080] =	vst v63  }
0x25: {  	s0 =	rddreg [dreg:$0x5];
	v3 =	vadd.s32 v1, v3  }
0x26: {  	[hbm4b:s4+s2] =	stream.indirect_vreg.scatter [tilespmem:s0], [sflag:$0x1], $0x80, v4, vm0, $0xb8;
	[tilespmem:$0xC080] =	vst v63  }
0x27: {  	_ = 	snop  }
0x28: {  	[hbm4b:s5+s2] =	stream.indirect_vreg.scatter [tilespmem:s9], [sflag:$0x1], $0x80, v4, vm0, $0xb8;
	[tilespmem:$0xC080] =	vst v63  }
0x29: {  	_ = 	snop  }
0x2a: {  	[hbm4b:s3+s2] =	stream.indirect_vreg.scatter [tilespmem:s10], [sflag:$0x1], $0x80, v3, vm0, $0xb8;
	[tilespmem:$0xC080] =	vst v63  }
0x2b: {  	_ = 	snop  }
0x2c: {  	[hbm4b:s4+s2] =	stream.indirect_vreg.scatter [tilespmem:s11], [sflag:$0x1], $0x80, v3, vm0, $0xb8;
	[tilespmem:$0xC080] =	vst v63  }
0x2d: {  	_ = 	snop  }
0x2e: {  	[hbm4b:s5+s2] =	stream.indirect_vreg.scatter [tilespmem:s12], [sflag:$0x1], $0x80, v3, vm0, $0xb8;
	[tilespmem:$0xC080] =	vst v63  }
0x2f: {  	v3 =	vld [tilespmem:$0x10];
	_ =	sdelay $0x4  }
0x30: {  	v61 =	vshrl.u32 v3, $0x3  }
0x31: {  	v4 =	vmul.u32 $0x30, v61  }
0x32: {  	v3 =	vand.u32 $0x7, v3  }
0x33: {  	v3 =	vor.u32 v3, v4  }
0x34: {  	v4 =	vperm.xlane v3, v0;
	_ =	sdelay $0x1  }
0x35: {  	v4 =	vadd.s32 v1, v4;
	_ =	sdelay $0x3  }
0x36: {  	v3 =	vperm.xlane v3, v2  }
0x37: {  	[hbm4b:s3+s2] =	stream.indirect_vreg.scatter [tilespmem:s13], [sflag:$0x1], $0x80, v4, vm0, $0xb8;
	[tilespmem:$0xC080] =	vst v63  }
0x38: {  	v3 =	vadd.s32 v1, v3  }
0x39: {  	[hbm4b:s4+s2] =	stream.indirect_vreg.scatter [tilespmem:s14], [sflag:$0x1], $0x80, v4, vm0, $0xb8;
	[tilespmem:$0xC080] =	vst v63  }
0x3a: {  	_ = 	snop  }
0x3b: {  	[hbm4b:s5+s2] =	stream.indirect_vreg.scatter [tilespmem:s15], [sflag:$0x1], $0x80, v4, vm0, $0xb8;
	[tilespmem:$0xC080] =	vst v63  }
0x3c: {  	_ = 	snop  }
0x3d: {  	[hbm4b:s3+s2] =	stream.indirect_vreg.scatter [tilespmem:s16], [sflag:$0x1], $0x80, v3, vm0, $0xb8;
	[tilespmem:$0xC080] =	vst v63  }
0x3e: {  	_ = 	snop  }
0x3f: {  	[hbm4b:s4+s2] =	stream.indirect_vreg.scatter [tilespmem:s17], [sflag:$0x1], $0x80, v3, vm0, $0xb8;
	[tilespmem:$0xC080] =	vst v63  }
0x40: {  	_ = 	snop  }
0x41: {  	[hbm4b:s5+s2] =	stream.indirect_vreg.scatter [tilespmem:s18], [sflag:$0x1], $0x80, v3, vm0, $0xb8;
	[tilespmem:$0xC080] =	vst v63  }
0x42: {  	v3 =	vld [tilespmem:$0x20];
	_ =	sdelay $0x4  }
0x43: {  	v62 =	vshrl.u32 v3, $0x3  }
0x44: {  	v4 =	vmul.u32 $0x30, v62  }
0x45: {  	v3 =	vand.u32 $0x7, v3  }
0x46: {  	v3 =	vor.u32 v3, v4  }
0x47: {  	v4 =	vperm.xlane v3, v0;
	_ =	sdelay $0x1  }
0x48: {  	v4 =	vadd.s32 v1, v4;
	_ =	sdelay $0x3  }
0x49: {  	v3 =	vperm.xlane v3, v2  }
0x4a: {  	[hbm4b:s3+s2] =	stream.indirect_vreg.scatter [tilespmem:s19], [sflag:$0x1], $0x80, v4, vm0, $0xb8;
	[tilespmem:$0xC080] =	vst v63  }
0x4b: {  	v3 =	vadd.s32 v1, v3  }
0x4c: {  	[hbm4b:s4+s2] =	stream.indirect_vreg.scatter [tilespmem:s20], [sflag:$0x1], $0x80, v4, vm0, $0xb8;
	[tilespmem:$0xC080] =	vst v63  }
0x4d: {  	_ = 	snop  }
0x4e: {  	[hbm4b:s5+s2] =	stream.indirect_vreg.scatter [tilespmem:s21], [sflag:$0x1], $0x80, v4, vm0, $0xb8;
	[tilespmem:$0xC080] =	vst v63  }
0x4f: {  	_ = 	snop  }
0x50: {  	[hbm4b:s3+s2] =	stream.indirect_vreg.scatter [tilespmem:s22], [sflag:$0x1], $0x80, v3, vm0, $0xb8;
	[tilespmem:$0xC080] =	vst v63  }
0x51: {  	_ = 	snop  }
0x52: {  	[hbm4b:s4+s2] =	stream.indirect_vreg.scatter [tilespmem:s23], [sflag:$0x1], $0x80, v3, vm0, $0xb8;
	[tilespmem:$0xC080] =	vst v63  }
0x53: {  	_ = 	snop  }
0x54: {  	[hbm4b:s5+s2] =	stream.indirect_vreg.scatter [tilespmem:s24], [sflag:$0x1], $0x80, v3, vm0, $0xb8;
	[tilespmem:$0xC080] =	vst v63  }
0x55: {  	v3 =	vld [tilespmem:$0x30];
	_ =	sdelay $0x4  }
0x56: {  	v63 =	vshrl.u32 v3, $0x3  }
0x57: {  	v4 =	vmul.u32 $0x30, v63  }
0x58: {  	v3 =	vand.u32 $0x7, v3  }
0x59: {  	v3 =	vor.u32 v3, v4  }
0x5a: {  	v4 =	vperm.xlane v3, v0;
	_ =	sdelay $0x1  }
0x5b: {  	v4 =	vadd.s32 v1, v4;
	_ =	sdelay $0x3  }
0x5c: {  	v3 =	vperm.xlane v3, v2  }
0x5d: {  	[hbm4b:s3+s2] =	stream.indirect_vreg.scatter [tilespmem:s25], [sflag:$0x1], $0x80, v4, vm0, $0xb8;
	[tilespmem:$0xC080] =	vst v63  }
0x5e: {  	v3 =	vadd.s32 v1, v3  }
0x5f: {  	[hbm4b:s4+s2] =	stream.indirect_vreg.scatter [tilespmem:s26], [sflag:$0x1], $0x80, v4, vm0, $0xb8;
	[tilespmem:$0xC080] =	vst v63  }
0x60: {  	_ = 	snop  }
0x61: {  	[hbm4b:s5+s2] =	stream.indirect_vreg.scatter [tilespmem:s28], [sflag:$0x1], $0x80, v4, vm0, $0xb8;
	[tilespmem:$0xC080] =	vst v63  }
0x62: {  	_ = 	snop  }
0x63: {  	[hbm4b:s3+s2] =	stream.indirect_vreg.scatter [tilespmem:s29], [sflag:$0x1], $0x80, v3, vm0, $0xb8;
	[tilespmem:$0xC080] =	vst v63  }
0x64: {  	p0 =	sne.s32 s6, $0x1  }
0x65: {  	[hbm4b:s4+s2] =	stream.indirect_vreg.scatter [tilespmem:s30], [sflag:$0x1], $0x80, v3, vm0, $0xb8;
	[tilespmem:$0xC080] =	vst v63  }
.Ltmp0:
0x66: {  	_ = 	snop;
	(pc) =	sbr.rel @p0 .LBB2_1-.Ltmp0, $4  }
0x67: {  	[hbm4b:s5+s2] =	stream.indirect_vreg.scatter [tilespmem:s31], [sflag:$0x1], $0x80, v3, vm0, $0xb8;
	[tilespmem:$0xC080] =	vst v63  }
0x68: {  	_ =	swait.ge [sflag:s1], $0xC000  }
0x69: {  	[sflag:s1] =	ssyncset.done $0x0  }
0x6a: {  	s6 =	sadd.s32 $0xFFFFFFFF, s6;
	[sflag:s1] =	ssyncadd.s32 $0xFFFF4000  }
0x6b: {  	_ =	sfence.sel $0x180000  }
0x6c: {  	[bflag:$0x0] =	sbarrier.arrive $0xFFFF  }
0x6d: {  	_ =	strace $0x90000047  }
0x6e: {  	s0 =	stileid.u32;
	[bflag:$0x2] =	sbarrier.arrive $0xFFFF  }
0x6f: {  	p0 =	sne.s32 s0, $0x0;
	s0 =	rddreg [dreg:$0x2]  }
0x70: {  	s0 =	sadd.s32 @!p0 $0x100000, s0  }
0x71: {  	[sflag:s0] =	ssyncadd.tile.s32 @!p0 $0x1;
	_ =	shalt  }
.Lfunc_end2:
_tile_overlayer_lowered:
.L_overlay_start_2:
0x72: {  	(tag) =	ssettag $0x2  }
0x73: {  	s0 =	rddreg [dreg:$0x0];
	s2 =	stileid.u32  }
0x74: {  	s1 =	rddreg [dreg:$0x1];
	p0 =	sne.s32 s2, $0x0  }
0x75: {  	s3 =	rddreg [dreg:$0x2];
	[bflag:$0x3] =	sbarrier.arrive $0xFFFF;
	s2 =	simm.s32 @!p0 $0x1C02  }
0x76: {  	[timem:s3], [sflag:s2] =	dma.local @!p0 [hbm:s0], s1  }
0x77: {  	s0 =	simm.s32 @!p0 $0x2  }
0x78: {  	_ =	swait.ge @!p0 [sflag:s0], s1  }
0x79: {  	s1 =	ssub.s32 @!p0 $0x0, s1;
	[sflag:s0] =	ssyncset.done @!p0 $0x0  }
0x7a: {  	[sflag:s0] =	ssyncadd.s32 @!p0 s1  }
0x7b: {  	[bflag:$0x3] =	sbarrier.arrive $0xFFFF  }
0x7c: {  	_ =	shalt  }

// kernel: kernel.9.cloned.1.call-start
scs
__scs_entry_jumppad:
0x0: {  	(pc) =	sbr.rel $0x88, $3  }
0x1: {  	(tag) =	ssettag $0x0;
	lr =	simm.s32 $0x1  }
0x2: {  	[smem:$0x3F9A] =	sst lr;
	_ =	strace $0xD0000000  }
0x3: {  	_ = 	snop  }
0x4: {  	_ = 	snop  }
0x5: {  	_ = 	snop  }
0x6: {  	_ = 	snop  }
0x7: {  	_ = 	snop  }
__scs_overlays_trampoline_lowered:
0x8: {  	[smem:$0x3FA9] =	sst s0  }
0x9: {  	[smem:$0x3FAA] =	sst s1  }
0xa: {  	[smem:$0x3FAB] =	sst s2  }
0xb: {  	[smem:$0x3FAC] =	sst s3  }
0xc: {  	[smem:$0x3FAD] =	sst s4  }
0xd: {  	[smem:$0x3FAE] =	sst s5  }
0xe: {  	[smem:$0x3FAF] =	sst s6  }
0xf: {  	[smem:$0x3FB0] =	sst s7  }
0x10: {  	[smem:$0x3FB1] =	sst s8  }
0x11: {  	[smem:$0x3FB2] =	sst s9;
	s0 =	simm.s32 @!p0 $0x0  }
0x12: {  	s1 =	sld [smem:$0x3F98];
	s0 =	simm.s32 @p0 $0x1  }
0x13: {  	[smem:$0x3FB3] =	sst s0;
	s0 =	simm.s32 @!p1 $0x0  }
0x14: {  	s2 =	sld [smem:$0x3F97];
	s0 =	simm.s32 @p1 $0x1  }
0x15: {  	[smem:$0x3FB4] =	sst s0;
	s0 =	simm.s32 @!p2 $0x0  }
0x16: {  	s3 =	sld [smem:$0x3FDB];
	s0 =	simm.s32 @p2 $0x1  }
0x17: {  	s4 =	simm.s32 $0x1BF5;
	[smem:$0x3FB6] =	sst s0  }
0x18: {  	s0 =	sld [smem:$0x3F99];
	_ =	swait.ge [sflag:s4], $0x0  }
0x19: {  	s7 =	sld [smem:$0x3F9A]  }
0x1a: {  	s8 =	sadd.s32 $0xFFFFE003, lr  }
0x1b: {  	s9 =	sadd.s32 $0xFFFFFEF7, lr;
	s5 =	simm.s32 $0xFFFFFFFF;
	p2 =	slt.u32 s8, $0xFFFFF086  }
0x1c: {  	p1 =	slt.u32 s9, $0xF7A;
	s5 =	simm.s32 @!p2 $0x0  }
0x1d: {  	s5 =	simm.s32 @p1 $0x1;
	p0 =	seq.s32 s7, s2  }
0x1e: {  	s7 =	smul.u32 @!p0 $0xF7A, s2;
	p2 =	seq.s32 @!p0 s5, $0x0  }
0x1f: {  	s9 =	smul.u32 $0xF7A, s1;
	s8 =	simm.s32 @!p0 $0x1BF5;
	p2 =	por !p2, p0  }
0x20: {  	[sflag:s8] =	ssyncset.s32 @!p0 $0xFFFFF086;
	s6 =	sadd.s32 @!p0 s3, s7;
	s7 =	simm.s32 @!p0 $0x108  }
0x21: {  	s3 =	sadd.s32 s3, s9;
	s6 =	sadd.s32 @!p0 $0x88, s6;
	s7 =	simm.s32 @p2 $0x1082  }
0x22: {  	[simem:s7], [sflag:s8] =	dma.local @!p0 [hbm:s6], $0xF7A  }
0x23: {  	s9 =	sor.u32 $0xD0000000, s2;
	s6 =	simm.s32 $0x108;
	_ =	swait.ge @!p0 [sflag:s8], $0x0  }
0x24: {  	s3 =	sadd.s32 $0x88, s3;
	s6 =	simm.s32 @!p1 $0x1082;
	[sflag:s4] =	ssyncset.s32 $0xFFFFF086  }
0x25: {  	[simem:s6], [sflag:s4] =	dma.local [hbm:s3], $0xF7A  }
0x26: {  	[smem:$0x3F9A] =	sst s1;
	(tag) =	ssettag s2;
	_ =	strace s9  }
0x27: {  	s1 =	sld [smem:$0x3FAA]  }
0x28: {  	s2 =	sld [smem:$0x3FAB]  }
0x29: {  	s4 =	sld [smem:$0x3FAD]  }
0x2a: {  	p0 =	seq.s32 s5, $0x0;
	s5 =	sld [smem:$0x3FAE]  }
0x2b: {  	s6 =	sld [smem:$0x3FAF]  }
0x2c: {  	s7 =	sld [smem:$0x3FB0]  }
0x2d: {  	s3 =	simm.s32 $0x108;
	s8 =	sld [smem:$0x3FB1]  }
0x2e: {  	s3 =	simm.s32 @!p0 $0x1082;
	s9 =	sld [smem:$0x3FB2]  }
0x2f: {  	lr =	sadd.s32 s0, s3;
	s0 =	sld [smem:$0x3FA9]  }
0x30: {  	s3 =	sld [smem:$0x3FAC]  }
0x31: {  	[smem:$0x3FB5] =	sst s10  }
0x32: {  	s10 =	sld [smem:$0x3FB3];
	_ =	sdelay $0x3  }
0x33: {  	p0 =	seq.s32 s10, $0x1;
	s10 =	sld [smem:$0x3FB5];
	_ =	sdelay $0x3  }
0x34: {  	[smem:$0x3FB5] =	sst s10  }
0x35: {  	s10 =	sld [smem:$0x3FB4];
	_ =	sdelay $0x3  }
0x36: {  	p1 =	seq.s32 s10, $0x1;
	s10 =	sld [smem:$0x3FB5];
	_ =	sdelay $0x3  }
0x37: {  	[smem:$0x3FB5] =	sst s10  }
0x38: {  	s10 =	sld [smem:$0x3FB6]  }
0x39: {  	_ = 	snop;
	(pc) =	sbr.ind lr, $3  }
0x3a: {  	_ = 	snop  }
0x3b: {  	_ = 	snop  }
0x3c: {  	p2 =	seq.s32 s10, $0x1;
	s10 =	sld [smem:$0x3FB5]  }
0x3d: {  	_ =	shalt  }
0x3e: {  	_ =	shalt  }
0x3f: {  	_ =	shalt  }
0x40: {  	_ =	shalt  }
0x41: {  	_ =	shalt  }
0x42: {  	_ =	shalt  }
0x43: {  	_ =	shalt  }
0x44: {  	_ =	shalt  }
0x45: {  	_ =	shalt  }
0x46: {  	_ =	shalt  }
0x47: {  	_ =	shalt  }
0x48: {  	_ =	shalt  }
0x49: {  	_ =	shalt  }
0x4a: {  	_ =	shalt  }
0x4b: {  	_ =	shalt  }
0x4c: {  	_ =	shalt  }
0x4d: {  	_ =	shalt  }
0x4e: {  	_ =	shalt  }
0x4f: {  	_ =	shalt  }
0x50: {  	_ =	shalt  }
0x51: {  	_ =	shalt  }
0x52: {  	_ =	shalt  }
0x53: {  	_ =	shalt  }
0x54: {  	_ =	shalt  }
0x55: {  	_ =	shalt  }
0x56: {  	_ =	shalt  }
0x57: {  	_ =	shalt  }
0x58: {  	_ =	shalt  }
0x59: {  	_ =	shalt  }
0x5a: {  	_ =	shalt  }
0x5b: {  	_ =	shalt  }
0x5c: {  	_ =	shalt  }
0x5d: {  	_ =	shalt  }
0x5e: {  	_ =	shalt  }
0x5f: {  	_ =	shalt  }
0x60: {  	_ =	shalt  }
0x61: {  	_ =	shalt  }
0x62: {  	_ =	shalt  }
0x63: {  	_ =	shalt  }
0x64: {  	_ =	shalt  }
0x65: {  	_ =	shalt  }
0x66: {  	_ =	shalt  }
0x67: {  	_ =	shalt  }
0x68: {  	_ =	shalt  }
0x69: {  	_ =	shalt  }
0x6a: {  	_ =	shalt  }
0x6b: {  	_ =	shalt  }
0x6c: {  	_ =	shalt  }
0x6d: {  	_ =	shalt  }
0x6e: {  	_ =	shalt  }
0x6f: {  	_ =	shalt  }
0x70: {  	_ =	shalt  }
0x71: {  	_ =	shalt  }
0x72: {  	_ =	shalt  }
0x73: {  	_ =	shalt  }
0x74: {  	_ =	shalt  }
0x75: {  	_ =	shalt  }
0x76: {  	_ =	shalt  }
0x77: {  	_ =	shalt  }
0x78: {  	_ =	shalt  }
0x79: {  	_ =	shalt  }
0x7a: {  	_ =	shalt  }
0x7b: {  	_ =	shalt  }
0x7c: {  	_ =	shalt  }
0x7d: {  	_ =	shalt  }
0x7e: {  	_ =	shalt  }
0x7f: {  	_ =	shalt  }
0x80: {  	_ =	shalt  }
0x81: {  	_ =	shalt  }
0x82: {  	_ =	shalt  }
0x83: {  	_ =	shalt  }
0x84: {  	_ =	shalt  }
0x85: {  	_ =	shalt  }
0x86: {  	_ =	shalt  }
0x87: {  	_ =	shalt  }
.Lfunc_end0:
.L_simem_size_0:
called_computation.1_lowered:
.L_overlay_start_0:
0x88: {  	s2 =	sld [smem:$0x3FD9]  }
0x89: {  	s3 =	sld [smem:$0x3FFE];
	_ =	sdelay $0x1  }
0x8a: {  	s1 =	srdreg.scid  }
0x8b: {  	s0 =	sand.u32 $0x1, s1  }
0x8c: {  	s14 =	sshll.u32 s0, $0xA;
	s2 =	sadd.s32 s3, s2  }
0x8d: {  	s2 =	sadd.s32 s2, s14  }
0x8e: {  	[smem:$0x3FC1] =	sst s2  }
0x8f: {  	_ = 	snop  }
0x90: {  	s2 =	sld [smem:$0x3FD0];
	_ =	sdelay $0x2  }
0x91: {  	s15 =	simm.s32 $0xA;
	s4 =	simm.s32 $0x10  }
0x92: {  	[smem:s4], [sflag:s15] =	dma.local [hbm:s2], $0x1  }
0x93: {  	_ =	swait.eq [sflag:s15], $0x1  }
0x94: {  	[sflag:s15] =	ssyncset.done $0x0  }
0x95: {  	[sflag:s15] =	ssyncadd.s32 $0xFFFFFFFF  }
0x96: {  	s16 =	sld [smem:$0x10];
	(tm) =	ssettm $0x1  }
0x97: {  	s17 =	sld [smem:$0x3FFB];
	_ =	sdelay $0x3  }
0x98: {  	_ =	strace s17  }
0x99: {  	s3 =	sld [smem:$0x3FFC];
	_ =	sdelay $0x3  }
0x9a: {  	_ =	strace s3  }
0x9b: {  	s3 =	sld [smem:$0x3FFD];
	_ =	sdelay $0x3  }
0x9c: {  	_ =	strace s3  }
0x9d: {  	_ =	strace $0x8FFFFFFF  }
0x9e: {  	s18 =	sld [smem:$0x3FDB];
	_ =	sdelay $0x1  }
0x9f: {  	s19 =	simm.s32 $_scs_section_size  }
0xa0: {  	s5 =	simm.s32 $_size__tile_overlayer_lowered;
	s6 =	simm.s32 $_tile_overlayer_lowered  }
0xa1: {  	s22 =	simm.s32 $0x1BFF;
	s21 =	sshll.u32 s6, $0x1;
	s3 =	sadd.s32 s19, s18  }
0xa2: {  	s7 =	simm.s32 $0x0;
	s20 =	sshll.u32 s5, $0x1;
	s5 =	sadd.s32 s21, s3  }
0xa3: {  	[timem:s7], [sflag:s22] =	dma.local [hbm:s5], s20  }
0xa4: {  	_ =	swait.ge [sflag:s22], s20  }
0xa5: {  	s4 =	ssub.s32 $0x0, s20;
	[sflag:s22] =	ssyncset.done $0x0  }
0xa6: {  	[sflag:s22] =	ssyncadd.s32 s4;
	_ =	sdelay $0x1  }
0xa7: {  	s23 =	simm.s32 $0x1B8B  }
0xa8: {  	_ =	swait.ge [sflag:s23], $0x1  }
0xa9: {  	[sflag:s23] =	ssyncset.done $0x0  }
0xaa: {  	s25 =	simm.s32 $0x1B8E;
	s24 =	sld [smem:$0x3FFE];
	[sflag:s23] =	ssyncadd.s32 $0xFFFFFFFF  }
0xab: {  	s26 =	simm.s32 $execute0_lowered;
	[smem:$0x3FD2] =	sst s25  }
0xac: {  	s5 =	sshll.u32 s26, $0x1;
	_ =	strace $0x80000049;
	[dreg:$0x1] =	wrdreg $0xFFFFFFFF  }
0xad: {  	s28 =	simm.s32 $_size_execute0_lowered;
	s3 =	sadd.s32 s3, s5;
	[dreg:$0x0] =	wrdreg $0x0  }
0xae: {  	s5 =	sshll.u32 s28, $0x1;
	[dreg:$0x2] =	wrdreg s3  }
0xaf: {  	[dreg:$0x3] =	wrdreg s5  }
0xb0: {  	[dreg:$0x4] =	wrdreg $0xC0  }
0xb1: {  	_ =	task [dreg:s7], $0x5FFFF  }
0xb2: {  	[dreg:$0x1] =	wrdreg $0xFFFFFFFF  }
0xb3: {  	[dreg:$0x0] =	wrdreg $0x60  }
0xb4: {  	[dreg:$0x2] =	wrdreg s24  }
0xb5: {  	[dreg:$0x3] =	wrdreg s16  }
0xb6: {  	[dreg:$0x4] =	wrdreg $0x9  }
0xb7: {  	_ =	task.clear_ibuf [dreg:s7], $0x5FFFF;
	_ =	strace $0x90000049  }
0xb8: {  	s29 =	simm.s32 $0x9;
	_ =	strace $0x8000004B  }
0xb9: {  	_ =	swait.ge [sflag:s29], $0x1  }
0xba: {  	[sflag:s29] =	ssyncadd.s32 $0xFFFFFFFF  }
0xbb: {  	_ =	strace $0x9000004B  }
0xbc: {  	_ =	sfence  }
0xbd: {  	s30 =	sld [smem:$0x0];
	_ =	sdelay $0x2  }
0xbe: {  	s31 =	sshll.u32 s1, $0xD;
	s1 =	sshrl.u32 s1, $0x2  }
0xbf: {  	s3 =	sand.u32 $0x4000, s31;
	s1 =	sadd.s32 s1, s30  }
0xc0: {  	s0 =	sor.u32 s3, s0;
	s1 =	sshll.u32 s1, $0x11  }
0xc1: {  	s0 =	sor.u32 s1, s0  }
0xc2: {  	s0 =	sadd.s32 $0x8F2B, s0  }
0xc3: {  	[sflag:s0] =	ssyncadd.remote.s32 $0x1  }
0xc4: {  	_ =	sfence.sel $0xFFFF  }
0xc5: {  	[dreg:$0x0] =	wrdreg $0xFFFFFFFF;
	(pc) =	sbr.abs _section_cstart, $3  }
0xc6: {  	[dreg:$0x1] =	wrdreg $0xFFFFFFFF  }
0xc7: {  	_ =	task.clear_ibuf [dreg:s7], $0x2FFFF;
	_ =	strace $0x9FFFFFFF  }
0xc8: {  	(tm) =	ssettm $0x7FFFFFFF  }
0xc9: {  	_ =	shalt  }
tec
execute0_lowered:
.L_overlay_start_1:
0x0: {  	(tag) =	ssettag $0x1  }
0x1: {  	s0 =	rddreg [dreg:$0x0]  }
0x2: {  	s5 =	rddreg [dreg:$0x1];
	s3 =	srdreg.scid  }
0x3: {  	s2 =	simm.s32 $0x0;
	s1 =	stileid.u32;
	s26 =	simm.s32 $0x880  }
0x4: {  	s10 =	simm.s32 $0x1880;
	s11 =	simm.s32 $0x2080;
	s12 =	simm.s32 $0x2880  }
0x5: {  	s13 =	simm.s32 $0x3080;
	s14 =	simm.s32 $0x3880;
	s15 =	simm.s32 $0x4080  }
0x6: {  	s16 =	simm.s32 $0x4880;
	s17 =	simm.s32 $0x5080;
	s18 =	simm.s32 $0x5880  }
0x7: {  	s19 =	simm.s32 $0x6080;
	s20 =	simm.s32 $0x6880;
	s21 =	simm.s32 $0x7080  }
0x8: {  	s22 =	simm.s32 $0x7880;
	s28 =	simm.s32 $0xA080;
	s29 =	simm.s32 $0xA880  }
0x9: {  	s30 =	simm.s32 $0xB080;
	s31 =	simm.s32 $0xB880;
	s3 =	sand.u32 $0x1, s3  }
0xa: {  	[smem:$0x7FF] =	sst s2;
	s4 =	sshll.u32 s1, $0x4;
	s6 =	sshll.u32 s3, $0x3  }
0xb: {  	_ =	strace $0x8000004A;
	s23 =	ssub.s32 $0x2, s3;
	s3 =	sadd.s32 $0x1A00, s0  }
0xc: {  	[dreg:$0x5] =	wrdreg s26;
	s26 =	simm.s32 $0x9880;
	s4 =	sor.u32 s6, s4  }
0xd: {  	s8 =	sshrl.u32 s23, $0x1;
	s7 =	sadd.s32 s4, s0;
	s9 =	smul.u32 $0x300, s4  }
0xe: {  	s6 =	ssub.s32 s23, s8;
	s4 =	sadd.s32 $0x1B00, s0;
	s8 =	simm.s32 $0x80  }
0xf: {  	s23 =	simm.s32 $0x8080;
	s24 =	sadd.s32 $0x1800, s7;
	s6 =	smax.u32 s6, $0x1  }
0x10: {  	v2 =	vlaneseq.u32;
	s7 =	simm.s32 $0x2;
	[dreg:$0x3] =	wrdreg s24;
	s25 =	sadd.s32 s5, s9  }
0x11: {  	vm0 =	vmmov $0xffff;
	v1 =	vshrl.u32 v2, $0x3;
	s5 =	sadd.s32 $0x1C00, s0;
	s9 =	simm.s32 $0x1080;
	s24 =	simm.s32 $0x8880  }
0x12: {  	v0 =	vand.u32 $0x7, v2;
	v2 =	vor.u32 $0x8, v2;
	v1 =	vmul.u32 $0x8, v1;
	s0 =	simm.s32 $0x1;
	[dreg:$0x4] =	wrdreg s25;
	s25 =	simm.s32 $0x9080  }
.LBB2_1:
0x13: {  	s1 =	rddreg [dreg:$0x3]  }
0x14: {  	[tilespmem:s2], [sflag:$0x2] =	stream.linear.gather [hbm4b:s1+s2], $0x40, $0x38;
	[tilespmem:$0xC080] =	vst v63  }
0x15: {  	_ =	swait.ge [sflag:s7], $0x40  }
0x16: {  	[sflag:s7] =	ssyncset.done $0x0  }
0x17: {  	[sflag:s7] =	ssyncadd.s32 $0xFFFFFFC0  }
0x18: {  	v3 =	vld [tilespmem:$0x0];
	_ =	sdelay $0x4  }
0x19: {  	v4 =	vshrl.u32 v3, $0x3  }
0x1a: {  	v4 =	vmul.u32 $0x30, v4  }
0x1b: {  	v3 =	vand.u32 $0x7, v3  }
0x1c: {  	v3 =	vor.u32 v3, v4  }
0x1d: {  	v4 =	vperm.xlane v3, v0;
	_ =	sdelay $0x1  }
0x1e: {  	v4 =	vadd.s32 v1, v4;
	_ =	sdelay $0x3  }
0x1f: {  	v3 =	vperm.xlane v3, v2  }
0x20: {  	[tilespmem:s8], [sflag:$0x1] =	stream.indirect_vreg.gather [hbm4b:s3+s2], $0x80, v4, vm0, $0xb8;
	[tilespmem:$0xC080] =	vst v63  }
0x21: {  	s1 =	rddreg [dreg:$0x5];
	v3 =	vadd.s32 v1, v3  }
0x22: {  	[tilespmem:s1], [sflag:$0x1] =	stream.indirect_vreg.gather [hbm4b:s4+s2], $0x80, v4, vm0, $0xb8;
	[tilespmem:$0xC080] =	vst v63  }
0x23: {  	_ = 	snop  }
0x24: {  	[tilespmem:s9], [sflag:$0x1] =	stream.indirect_vreg.gather [hbm4b:s5+s2], $0x80, v4, vm0, $0xb8;
	[tilespmem:$0xC080] =	vst v63  }
0x25: {  	_ = 	snop  }
0x26: {  	[tilespmem:s10], [sflag:$0x1] =	stream.indirect_vreg.gather [hbm4b:s3+s2], $0x80, v3, vm0, $0xb8;
	[tilespmem:$0xC080] =	vst v63  }
0x27: {  	_ = 	snop  }
0x28: {  	[tilespmem:s11], [sflag:$0x1] =	stream.indirect_vreg.gather [hbm4b:s4+s2], $0x80, v3, vm0, $0xb8;
	[tilespmem:$0xC080] =	vst v63  }
0x29: {  	_ = 	snop  }
0x2a: {  	[tilespmem:s12], [sflag:$0x1] =	stream.indirect_vreg.gather [hbm4b:s5+s2], $0x80, v3, vm0, $0xb8;
	[tilespmem:$0xC080] =	vst v63  }
0x2b: {  	v3 =	vld [tilespmem:$0x10];
	_ =	sdelay $0x4  }
0x2c: {  	v61 =	vshrl.u32 v3, $0x3  }
0x2d: {  	v4 =	vmul.u32 $0x30, v61  }
0x2e: {  	v3 =	vand.u32 $0x7, v3  }
0x2f: {  	v3 =	vor.u32 v3, v4  }
0x30: {  	v4 =	vperm.xlane v3, v0;
	_ =	sdelay $0x1  }
0x31: {  	v4 =	vadd.s32 v1, v4;
	_ =	sdelay $0x3  }
0x32: {  	v3 =	vperm.xlane v3, v2  }
0x33: {  	[tilespmem:s13], [sflag:$0x1] =	stream.indirect_vreg.gather [hbm4b:s3+s2], $0x80, v4, vm0, $0xb8;
	[tilespmem:$0xC080] =	vst v63  }
0x34: {  	v3 =	vadd.s32 v1, v3  }
0x35: {  	[tilespmem:s14], [sflag:$0x1] =	stream.indirect_vreg.gather [hbm4b:s4+s2], $0x80, v4, vm0, $0xb8;
	[tilespmem:$0xC080] =	vst v63  }
0x36: {  	_ = 	snop  }
0x37: {  	[tilespmem:s15], [sflag:$0x1] =	stream.indirect_vreg.gather [hbm4b:s5+s2], $0x80, v4, vm0, $0xb8;
	[tilespmem:$0xC080] =	vst v63  }
0x38: {  	_ = 	snop  }
0x39: {  	[tilespmem:s16], [sflag:$0x1] =	stream.indirect_vreg.gather [hbm4b:s3+s2], $0x80, v3, vm0, $0xb8;
	[tilespmem:$0xC080] =	vst v63  }
0x3a: {  	_ = 	snop  }
0x3b: {  	[tilespmem:s17], [sflag:$0x1] =	stream.indirect_vreg.gather [hbm4b:s4+s2], $0x80, v3, vm0, $0xb8;
	[tilespmem:$0xC080] =	vst v63  }
0x3c: {  	_ = 	snop  }
0x3d: {  	[tilespmem:s18], [sflag:$0x1] =	stream.indirect_vreg.gather [hbm4b:s5+s2], $0x80, v3, vm0, $0xb8;
	[tilespmem:$0xC080] =	vst v63  }
0x3e: {  	v3 =	vld [tilespmem:$0x20];
	_ =	sdelay $0x4  }
0x3f: {  	v62 =	vshrl.u32 v3, $0x3  }
0x40: {  	v4 =	vmul.u32 $0x30, v62  }
0x41: {  	v3 =	vand.u32 $0x7, v3  }
0x42: {  	v3 =	vor.u32 v3, v4  }
0x43: {  	v4 =	vperm.xlane v3, v0;
	_ =	sdelay $0x1  }
0x44: {  	v4 =	vadd.s32 v1, v4;
	_ =	sdelay $0x3  }
0x45: {  	v3 =	vperm.xlane v3, v2  }
0x46: {  	[tilespmem:s19], [sflag:$0x1] =	stream.indirect_vreg.gather [hbm4b:s3+s2], $0x80, v4, vm0, $0xb8;
	[tilespmem:$0xC080] =	vst v63  }
0x47: {  	v3 =	vadd.s32 v1, v3  }
0x48: {  	[tilespmem:s20], [sflag:$0x1] =	stream.indirect_vreg.gather [hbm4b:s4+s2], $0x80, v4, vm0, $0xb8;
	[tilespmem:$0xC080] =	vst v63  }
0x49: {  	_ = 	snop  }
0x4a: {  	[tilespmem:s21], [sflag:$0x1] =	stream.indirect_vreg.gather [hbm4b:s5+s2], $0x80, v4, vm0, $0xb8;
	[tilespmem:$0xC080] =	vst v63  }
0x4b: {  	_ = 	snop  }
0x4c: {  	[tilespmem:s22], [sflag:$0x1] =	stream.indirect_vreg.gather [hbm4b:s3+s2], $0x80, v3, vm0, $0xb8;
	[tilespmem:$0xC080] =	vst v63  }
0x4d: {  	_ = 	snop  }
0x4e: {  	[tilespmem:s23], [sflag:$0x1] =	stream.indirect_vreg.gather [hbm4b:s4+s2], $0x80, v3, vm0, $0xb8;
	[tilespmem:$0xC080] =	vst v63  }
0x4f: {  	_ = 	snop  }
0x50: {  	[tilespmem:s24], [sflag:$0x1] =	stream.indirect_vreg.gather [hbm4b:s5+s2], $0x80, v3, vm0, $0xb8;
	[tilespmem:$0xC080] =	vst v63  }
0x51: {  	v3 =	vld [tilespmem:$0x30];
	_ =	sdelay $0x4  }
0x52: {  	v63 =	vshrl.u32 v3, $0x3  }
0x53: {  	v4 =	vmul.u32 $0x30, v63  }
0x54: {  	v3 =	vand.u32 $0x7, v3  }
0x55: {  	v3 =	vor.u32 v3, v4  }
0x56: {  	v4 =	vperm.xlane v3, v0;
	_ =	sdelay $0x1  }
0x57: {  	v4 =	vadd.s32 v1, v4;
	_ =	sdelay $0x3  }
0x58: {  	v3 =	vperm.xlane v3, v2  }
0x59: {  	[tilespmem:s25], [sflag:$0x1] =	stream.indirect_vreg.gather [hbm4b:s3+s2], $0x80, v4, vm0, $0xb8;
	[tilespmem:$0xC080] =	vst v63  }
0x5a: {  	v3 =	vadd.s32 v1, v3  }
0x5b: {  	[tilespmem:s26], [sflag:$0x1] =	stream.indirect_vreg.gather [hbm4b:s4+s2], $0x80, v4, vm0, $0xb8;
	[tilespmem:$0xC080] =	vst v63  }
0x5c: {  	_ = 	snop  }
0x5d: {  	[tilespmem:s28], [sflag:$0x1] =	stream.indirect_vreg.gather [hbm4b:s5+s2], $0x80, v4, vm0, $0xb8;
	[tilespmem:$0xC080] =	vst v63  }
0x5e: {  	_ = 	snop  }
0x5f: {  	[tilespmem:s29], [sflag:$0x1] =	stream.indirect_vreg.gather [hbm4b:s3+s2], $0x80, v3, vm0, $0xb8;
	[tilespmem:$0xC080] =	vst v63  }
0x60: {  	_ = 	snop  }
0x61: {  	[tilespmem:s30], [sflag:$0x1] =	stream.indirect_vreg.gather [hbm4b:s4+s2], $0x80, v3, vm0, $0xb8;
	[tilespmem:$0xC080] =	vst v63  }
0x62: {  	_ = 	snop  }
0x63: {  	[tilespmem:s31], [sflag:$0x1] =	stream.indirect_vreg.gather [hbm4b:s5+s2], $0x80, v3, vm0, $0xb8;
	[tilespmem:$0xC080] =	vst v63  }
0x64: {  	_ =	swait.ge [sflag:s0], $0xC000  }
0x65: {  	p0 =	sne.s32 s6, $0x1;
	[sflag:s0] =	ssyncset.done $0x0  }
.Ltmp0:
0x66: {  	s1 =	rddreg [dreg:$0x4];
	[sflag:s0] =	ssyncadd.s32 $0xFFFF4000;
	(pc) =	sbr.rel @p0 .LBB2_1-.Ltmp0, $4  }
0x67: {  	[hbm4b:s1+s2] =	stream.linear.scatter [tilespmem:s8], [sflag:$0x2], $0xC000, $0x38;
	[tilespmem:$0xC080] =	vst v63  }
0x68: {  	_ =	swait.ge [sflag:s7], $0xC000  }
0x69: {  	[sflag:s7] =	ssyncset.done $0x0  }
0x6a: {  	s6 =	sadd.s32 $0xFFFFFFFF, s6;
	[sflag:s7] =	ssyncadd.s32 $0xFFFF4000  }
0x6b: {  	_ =	sfence.sel $0x180000  }
0x6c: {  	[bflag:$0x0] =	sbarrier.arrive $0xFFFF  }
0x6d: {  	_ =	strace $0x9000004A  }
0x6e: {  	s0 =	stileid.u32;
	[bflag:$0x2] =	sbarrier.arrive $0xFFFF  }
0x6f: {  	p0 =	sne.s32 s0, $0x0;
	s0 =	rddreg [dreg:$0x2]  }
0x70: {  	s0 =	sadd.s32 @!p0 $0x100000, s0  }
0x71: {  	[sflag:s0] =	ssyncadd.tile.s32 @!p0 $0x1;
	_ =	shalt  }
.Lfunc_end2:
_tile_overlayer_lowered:
.L_overlay_start_2:
0x72: {  	(tag) =	ssettag $0x2  }
0x73: {  	s0 =	rddreg [dreg:$0x0];
	s2 =	stileid.u32  }
0x74: {  	s1 =	rddreg [dreg:$0x1];
	p0 =	sne.s32 s2, $0x0  }
0x75: {  	s3 =	rddreg [dreg:$0x2];
	[bflag:$0x3] =	sbarrier.arrive $0xFFFF;
	s2 =	simm.s32 @!p0 $0x1C02  }
0x76: {  	[timem:s3], [sflag:s2] =	dma.local @!p0 [hbm:s0], s1  }
0x77: {  	s0 =	simm.s32 @!p0 $0x2  }
0x78: {  	_ =	swait.ge @!p0 [sflag:s0], s1  }
0x79: {  	s1 =	ssub.s32 @!p0 $0x0, s1;
	[sflag:s0] =	ssyncset.done @!p0 $0x0  }
0x7a: {  	[sflag:s0] =	ssyncadd.s32 @!p0 s1  }
0x7b: {  	[bflag:$0x3] =	sbarrier.arrive $0xFFFF  }
0x7c: {  	_ =	shalt  }

</sc_bundles>
